<compile_context>
chip_gen: v7x
topology: tpu7x:2x2x1
jax: 0.10.2.dev20260603
libtpu: 0.0.44.dev20260713+nightly
codegen_flags: <defaults>
</compile_context>

<pallas_src>
import jax
import jax.numpy as jnp
from jax import lax
from jax.experimental import pallas as pl
from jax.experimental.pallas import tpu as pltpu
from jax.experimental.pallas import tpu_sc as plsc

BINS = 256
MIN_VAL = -1.0
MAX_VAL = 1.0
ALPHA = 0.1
DELTA = (MAX_VAL - MIN_VAL) / (BINS - 1)

N = 131072
NC, NS, LANES = 2, 16, 16
NW = NC * NS
CHUNK = N // NW
VREGS = CHUNK // LANES
HWORDS = BINS * LANES
ROW = 2 * BINS + 2 * LANES
UNROLL = 2


def _sc_partials(pos_hbm, neg_hbm, out_hbm, pos_v, neg_v, hist_v, part_v,
                 sem_p, sem_n):
    wid = lax.axis_index("s") * NC + lax.axis_index("c")
    base = wid * CHUNK

    cp = pltpu.async_copy(pos_hbm.at[pl.ds(base, CHUNK)], pos_v, sem_p)
    cn = pltpu.async_copy(neg_hbm.at[pl.ds(base, CHUNK)], neg_v, sem_n)

    zeros16 = jnp.zeros((LANES,), jnp.float32)

    @plsc.parallel_loop(0, 2 * HWORDS // LANES, 1, unroll=4)
    def _(k):
        hist_v[pl.ds(k * LANES, LANES)] = zeros16

    cp.wait()
    cn.wait()

    lane = lax.iota(jnp.int32, LANES)
    inv_delta = jnp.float32(1.0 / DELTA)
    neg_min_scaled = jnp.float32(-MIN_VAL / DELTA)

    def scatter(x, hist_base):
        u = x * inv_delta + neg_min_scaled
        i0 = jnp.minimum(u.astype(jnp.int32), BINS - 2)
        frac = u - i0.astype(jnp.float32)
        idx0 = i0 * LANES + (lane + hist_base)
        plsc.addupdate_scatter(hist_v, [idx0], 1.0 - frac)
        plsc.addupdate_scatter(hist_v, [idx0 + LANES], frac)

    init = (zeros16, zeros16)

    @plsc.parallel_loop(0, VREGS, 1, unroll=UNROLL, carry=init)
    def moments(j, carry):
        ss_p, ss_n = carry
        xp = pos_v[pl.ds(j * LANES, LANES)]
        xn = neg_v[pl.ds(j * LANES, LANES)]
        scatter(xp, 0)
        scatter(xn, HWORDS)
        return (ss_p + xp * xp, ss_n + xn * xn)

    ss_p, ss_n = moments

    gbase = lane * LANES

    @plsc.parallel_loop(0, 2 * BINS // LANES, 1, unroll=1)
    def _(c):
        hoff = c * (LANES * LANES)
        a0 = plsc.load_gather(hist_v, [gbase + hoff])
        a1 = plsc.load_gather(hist_v, [gbase + (hoff + 1)])
        a2 = plsc.load_gather(hist_v, [gbase + (hoff + 2)])
        a3 = plsc.load_gather(hist_v, [gbase + (hoff + 3)])
        for l in range(4, LANES, 4):
            a0 = a0 + plsc.load_gather(hist_v, [gbase + (hoff + l)])
            a1 = a1 + plsc.load_gather(hist_v, [gbase + (hoff + l + 1)])
            a2 = a2 + plsc.load_gather(hist_v, [gbase + (hoff + l + 2)])
            a3 = a3 + plsc.load_gather(hist_v, [gbase + (hoff + l + 3)])
        part_v[pl.ds(c * LANES, LANES)] = (a0 + a1) + (a2 + a3)

    part_v[pl.ds(2 * BINS + 0 * LANES, LANES)] = ss_p
    part_v[pl.ds(2 * BINS + 1 * LANES, LANES)] = ss_n

    pltpu.sync_copy(part_v, out_hbm.at[wid])


def _tc_epilogue(parts_ref, out_ref):
    p = parts_ref[...]
    comb = jnp.sum(p, axis=0, keepdims=True)
    hp = comb[:, 0:BINS]
    hn = comb[:, BINS:2 * BINS]
    sv = comb[:, 2 * BINS:]

    row = lax.broadcasted_iota(jnp.int32, (BINS, BINS), 0)
    col = lax.broadcasted_iota(jnp.int32, (BINS, BINS), 1)
    tri = (row <= col).astype(jnp.float32)

    hn8 = jnp.broadcast_to(hn, (8, BINS))
    csum = lax.dot_general(hn8, tri, (((1,), (0,)), ((), ())),
                           precision=lax.Precision.HIGHEST,
                           preferred_element_type=jnp.float32)
    loss_raw = jnp.sum(hp * csum[0:1, :])

    nf = jnp.float32(N)
    bvec = lax.broadcasted_iota(jnp.int32, (1, BINS), 1).astype(jnp.float32)
    s_p = jnp.float32(DELTA) * jnp.sum(hp * bvec) + nf * jnp.float32(MIN_VAL)
    s_n = jnp.float32(DELTA) * jnp.sum(hn * bvec) + nf * jnp.float32(MIN_VAL)
    ss_p = jnp.sum(sv[:, 0:16])
    ss_n = jnp.sum(sv[:, 16:32])
    var_p = jnp.maximum(ss_p - s_p * s_p / nf, 0.0) / (nf - 1.0)
    var_n = jnp.maximum(ss_n - s_n * s_n / nf, 0.0) / (nf - 1.0)
    std_loss = ALPHA * (jnp.sqrt(var_p) + jnp.sqrt(var_n))

    total = loss_raw / (nf * nf) + std_loss
    out_ref[...] = jnp.full((1, 1), total, jnp.float32)


@jax.jit
def kernel(positive, negative):
    mesh = plsc.VectorSubcoreMesh(core_axis_name="c", subcore_axis_name="s")
    parts = pl.kernel(
        _sc_partials,
        out_type=jax.ShapeDtypeStruct((NW, ROW), jnp.float32),
        mesh=mesh,
        compiler_params=pltpu.CompilerParams(needs_layout_passes=False),
        scratch_types=[
            pltpu.VMEM((CHUNK,), jnp.float32),
            pltpu.VMEM((CHUNK,), jnp.float32),
            pltpu.VMEM((2 * HWORDS,), jnp.float32),
            pltpu.VMEM((ROW,), jnp.float32),
            pltpu.SemaphoreType.DMA,
            pltpu.SemaphoreType.DMA,
        ],
    )(positive, negative)

    out = pl.pallas_call(
        _tc_epilogue,
        out_shape=jax.ShapeDtypeStruct((1, 1), jnp.float32),
    )(parts)
    return out[0, 0]

# --- scband reference (transcript-rebuilt; emitter-appended) ---
"""Pipeline reference for scband-base-hist-loss-240518168801 (READ-ONLY COPY).

The authoritative reference and input builder live on the scoring server;
editing this copy changes nothing except your own understanding.
"""

import jax, jax.numpy as jnp
import numpy as np

BINS = 256
MIN_VAL = -1.0
MAX_VAL = 1.0
ALPHA = 0.1
DELTA = (MAX_VAL - MIN_VAL) / (BINS - 1)


def _triangular_histogram_with_linear_slope(x, t, delta):
    # x: (N,) flattened input, t: (bins,) bin centers
    x = x.reshape(-1)
    n = x.shape[0]
    # rising slope: contributes (x - (t - delta)) / delta for x in (t - delta, t]
    d1 = x[None, :] - t[:, None] + delta  # (bins, N)
    a = jnp.sum(jnp.where((d1 > 0) & (d1 <= delta), d1, 0.0), axis=1) / (delta * n)
    # falling slope: contributes ((t + delta) - x) / delta for x in [t, t + delta)
    d2 = t[:, None] - x[None, :] + delta  # (bins, N)
    b = jnp.sum(jnp.where((d2 > 0) & (d2 < delta), d2, 0.0), axis=1) / (delta * n)
    return a + b


def setup_inputs(seed: int = 0):
    key = jax.random.key(seed)
    k1, k2 = jax.random.split(key)
    positive = jax.random.uniform(k1, (131072,), dtype=jnp.float32)
    negative = jax.random.uniform(k2, (131072,), dtype=jnp.float32)
    return {"positive": positive, "negative": negative}


def reference(positive, negative):
    t = MIN_VAL + DELTA * jnp.arange(BINS, dtype=jnp.float32)
    hist_pos = _triangular_histogram_with_linear_slope(positive, t, DELTA)
    hist_neg = _triangular_histogram_with_linear_slope(negative, t, DELTA)
    # canonical histogram loss (Ustinova & Lempitsky): P(neg > pos) estimate
    loss = jnp.sum(hist_pos * jnp.cumsum(hist_neg))
    # std regularization from BaseHistLoss.std_loss (alpha > 0 branch; torch.std is unbiased)
    std_loss = ALPHA * (jnp.std(positive, ddof=1) + jnp.std(negative, ddof=1))
    return loss + std_loss

if __name__ == "__main__":
    import jax
    _d = setup_inputs()
    print(jax.jit(kernel)(*tuple(_d.values())))

</pallas_src>

<mosaic_0001>
#map = affine_map<(d0, d1) -> (0)>
#map1 = affine_map<(d0, d1) -> (0, 0)>
module attributes {stable_mosaic.version = 14 : i64} {
  func.func @_sc_partials(%arg0: i32, %arg1: i32, %arg2: memref<131072xf32, #tpu.memory_space<hbm>>, %arg3: memref<131072xf32, #tpu.memory_space<hbm>>, %arg4: memref<32x544xf32, #tpu.memory_space<hbm>>, %arg5: memref<4096xf32, #tpu.memory_space<vmem>>, %arg6: memref<4096xf32, #tpu.memory_space<vmem>>, %arg7: memref<8192xf32, #tpu.memory_space<vmem>>, %arg8: memref<544xf32, #tpu.memory_space<vmem>>, %arg9: memref<!tpu.dma_semaphore, #tpu.memory_space<semaphore_mem>>, %arg10: memref<!tpu.dma_semaphore, #tpu.memory_space<semaphore_mem>>) attributes {dimension_semantics = [#tpu.dimension_semantics<core_parallel>, #tpu.dimension_semantics<subcore_parallel>], iteration_bounds = array<i64: 2, 16>, scalar_prefetch = 0 : i64, scratch_operands = 6 : i64, tpu.core_type = #tpu.core_type<sc_vector_subcore>, window_params = [{transform_indices = #map}, {transform_indices = #map}, {transform_indices = #map1}]} {
    %mul3A = arith.constant 2 : i32
    %mul3A_0 = arith.muli %arg1, %mul3A : i32
    %add3A = arith.addi %mul3A_0, %arg0 : i32
    %mul3A_1 = arith.constant 4096 : i32
    %mul3A_2 = arith.muli %add3A, %mul3A_1 : i32
    %dma_start3A = tpu.memref_slice %arg2[%mul3A_2] : memref<131072xf32, #tpu.memory_space<hbm>> -> memref<4096xf32, #tpu.memory_space<hbm>>
    %dma_start3A_3 = tpu.memref_slice %arg2[%mul3A_2] : memref<131072xf32, #tpu.memory_space<hbm>> -> memref<4096xf32, #tpu.memory_space<hbm>>
    tpu.enqueue_dma source(%dma_start3A_3 : memref<4096xf32, #tpu.memory_space<hbm>>) target(%arg5 : memref<4096xf32, #tpu.memory_space<vmem>>) target_semaphore(%arg9 : memref<!tpu.dma_semaphore, #tpu.memory_space<semaphore_mem>>)
    %dma_start3A_4 = tpu.memref_slice %arg3[%mul3A_2] : memref<131072xf32, #tpu.memory_space<hbm>> -> memref<4096xf32, #tpu.memory_space<hbm>>
    %dma_start3A_5 = tpu.memref_slice %arg3[%mul3A_2] : memref<131072xf32, #tpu.memory_space<hbm>> -> memref<4096xf32, #tpu.memory_space<hbm>>
    tpu.enqueue_dma source(%dma_start3A_5 : memref<4096xf32, #tpu.memory_space<hbm>>) target(%arg6 : memref<4096xf32, #tpu.memory_space<vmem>>) target_semaphore(%arg10 : memref<!tpu.dma_semaphore, #tpu.memory_space<semaphore_mem>>)
    %broadcast_in_dim3A = arith.constant 0.000000e+00 : f32
    %broadcast_in_dim3A_6 = vector.broadcast %broadcast_in_dim3A : f32 to vector<16xf32>
    %parallel_loop3A = arith.constant 0 : i32
    %parallel_loop3A_7 = arith.constant 512 : i32
    %parallel_loop3A_8 = arith.constant 1 : i32
    scf.for %parallel_loop3A_27 = %parallel_loop3A to %parallel_loop3A_7 step %parallel_loop3A_8  : i32 {
      %parallel_loop3A_28 = arith.constant 16 : i32
      %parallel_loop3A_29 = arith.muli %parallel_loop3A_27, %parallel_loop3A_28 : i32
      %parallel_loop3A_30 = arith.index_cast %parallel_loop3A_29 : i32 to index
      %parallel_loop3A_31 = tpu.vector_load %arg7[%parallel_loop3A_30] {strides = array<i32>} : memref<8192xf32, #tpu.memory_space<vmem>>, vector<16xf32>,
      tpu.vector_store %arg7[%parallel_loop3A_30], %broadcast_in_dim3A_6 {strides = array<i32>} : memref<8192xf32, #tpu.memory_space<vmem>>, vector<16xf32>,
    } {sc.loop_unroll_factor = 4 : i64, sc.parallel_access}
    %dma_wait3A = tpu.memref_slice %arg2[%mul3A_2] : memref<131072xf32, #tpu.memory_space<hbm>> -> memref<4096xf32, #tpu.memory_space<hbm>>
    %dma_wait3A_9 = tpu.memref_slice %arg2[%mul3A_2] : memref<131072xf32, #tpu.memory_space<hbm>> -> memref<4096xf32, #tpu.memory_space<hbm>>
    tpu.wait_dma2 semaphore(%arg9 : memref<!tpu.dma_semaphore, #tpu.memory_space<semaphore_mem>>) src(%dma_wait3A_9 : memref<4096xf32, #tpu.memory_space<hbm>>) dst(%arg5 : memref<4096xf32, #tpu.memory_space<vmem>>)
    %dma_wait3A_10 = tpu.memref_slice %arg3[%mul3A_2] : memref<131072xf32, #tpu.memory_space<hbm>> -> memref<4096xf32, #tpu.memory_space<hbm>>
    %dma_wait3A_11 = tpu.memref_slice %arg3[%mul3A_2] : memref<131072xf32, #tpu.memory_space<hbm>> -> memref<4096xf32, #tpu.memory_space<hbm>>
    tpu.wait_dma2 semaphore(%arg10 : memref<!tpu.dma_semaphore, #tpu.memory_space<semaphore_mem>>) src(%dma_wait3A_11 : memref<4096xf32, #tpu.memory_space<hbm>>) dst(%arg6 : memref<4096xf32, #tpu.memory_space<vmem>>)
    %iota3A = tpu.iota {dimensions = array<i32: 0>} : vector<16xi32>
    %parallel_loop3A_12 = arith.constant 0 : i32
    %parallel_loop3A_13 = arith.constant 256 : i32
    %parallel_loop3A_14 = arith.constant 1 : i32
    %parallel_loop3A_15 = arith.constant 1.275000e+02 : f32
    %parallel_loop3A_16 = arith.constant 1.275000e+02 : f32
    %parallel_loop3A_17:2 = scf.for %parallel_loop3A_27 = %parallel_loop3A_12 to %parallel_loop3A_13 step %parallel_loop3A_14 iter_args(%parallel_loop3A_28 = %broadcast_in_dim3A_6, %parallel_loop3A_29 = %broadcast_in_dim3A_6) -> (vector<16xf32>, vector<16xf32>)  : i32 {
      %parallel_loop3A_30 = arith.constant 16 : i32
      %parallel_loop3A_31 = arith.muli %parallel_loop3A_27, %parallel_loop3A_30 : i32
      %parallel_loop3A_32 = arith.index_cast %parallel_loop3A_31 : i32 to index
      %parallel_loop3A_33 = tpu.vector_load %arg5[%parallel_loop3A_32] {strides = array<i32>} : memref<4096xf32, #tpu.memory_space<vmem>>, vector<16xf32>,
      %parallel_loop3A_34 = arith.constant 16 : i32
      %parallel_loop3A_35 = arith.muli %parallel_loop3A_27, %parallel_loop3A_34 : i32
      %parallel_loop3A_36 = arith.index_cast %parallel_loop3A_35 : i32 to index
      %parallel_loop3A_37 = tpu.vector_load %arg6[%parallel_loop3A_36] {strides = array<i32>} : memref<4096xf32, #tpu.memory_space<vmem>>, vector<16xf32>,
      %parallel_loop3A_38 = vector.broadcast %parallel_loop3A_15 : f32 to vector<16xf32>
      %parallel_loop3A_39 = arith.mulf %parallel_loop3A_33, %parallel_loop3A_38 : vector<16xf32>
      %parallel_loop3A_40 = vector.broadcast %parallel_loop3A_16 : f32 to vector<16xf32>
      %parallel_loop3A_41 = arith.addf %parallel_loop3A_39, %parallel_loop3A_40 : vector<16xf32>
      %parallel_loop3A_42 = arith.fptosi %parallel_loop3A_41 : vector<16xf32> to vector<16xi32>
      %parallel_loop3A_43 = arith.constant 254 : i32
      %parallel_loop3A_44 = vector.broadcast %parallel_loop3A_43 : i32 to vector<16xi32>
      %parallel_loop3A_45 = arith.minsi %parallel_loop3A_42, %parallel_loop3A_44 : vector<16xi32>
      %parallel_loop3A_46 = arith.sitofp %parallel_loop3A_45 : vector<16xi32> to vector<16xf32>
      %parallel_loop3A_47 = arith.subf %parallel_loop3A_41, %parallel_loop3A_46 : vector<16xf32>
      %parallel_loop3A_48 = arith.constant 16 : i32
      %parallel_loop3A_49 = vector.broadcast %parallel_loop3A_48 : i32 to vector<16xi32>
      %parallel_loop3A_50 = arith.muli %parallel_loop3A_45, %parallel_loop3A_49 : vector<16xi32>
      %parallel_loop3A_51 = arith.constant 0 : i32
      %parallel_loop3A_52 = vector.broadcast %parallel_loop3A_51 : i32 to vector<16xi32>
      %parallel_loop3A_53 = arith.addi %iota3A, %parallel_loop3A_52 : vector<16xi32>
      %parallel_loop3A_54 = arith.addi %parallel_loop3A_50, %parallel_loop3A_53 : vector<16xi32>
      %parallel_loop3A_55 = arith.constant 1.000000e+00 : f32
      %parallel_loop3A_56 = vector.broadcast %parallel_loop3A_55 : f32 to vector<16xf32>
      %parallel_loop3A_57 = arith.subf %parallel_loop3A_56, %parallel_loop3A_47 : vector<16xf32>
      tpu.vector_store_idx %arg7[%parallel_loop3A_54], %parallel_loop3A_57 {add = true} : memref<8192xf32, #tpu.memory_space<vmem>>[vector<16xi32>], vector<16xf32>,
      %parallel_loop3A_58 = arith.constant 16 : i32
      %parallel_loop3A_59 = vector.broadcast %parallel_loop3A_58 : i32 to vector<16xi32>
      %parallel_loop3A_60 = arith.addi %parallel_loop3A_54, %parallel_loop3A_59 : vector<16xi32>
      tpu.vector_store_idx %arg7[%parallel_loop3A_60], %parallel_loop3A_47 {add = true} : memref<8192xf32, #tpu.memory_space<vmem>>[vector<16xi32>], vector<16xf32>,
      %parallel_loop3A_61 = vector.broadcast %parallel_loop3A_15 : f32 to vector<16xf32>
      %parallel_loop3A_62 = arith.mulf %parallel_loop3A_37, %parallel_loop3A_61 : vector<16xf32>
      %parallel_loop3A_63 = vector.broadcast %parallel_loop3A_16 : f32 to vector<16xf32>
      %parallel_loop3A_64 = arith.addf %parallel_loop3A_62, %parallel_loop3A_63 : vector<16xf32>
      %parallel_loop3A_65 = arith.fptosi %parallel_loop3A_64 : vector<16xf32> to vector<16xi32>
      %parallel_loop3A_66 = arith.constant 254 : i32
      %parallel_loop3A_67 = vector.broadcast %parallel_loop3A_66 : i32 to vector<16xi32>
      %parallel_loop3A_68 = arith.minsi %parallel_loop3A_65, %parallel_loop3A_67 : vector<16xi32>
      %parallel_loop3A_69 = arith.sitofp %parallel_loop3A_68 : vector<16xi32> to vector<16xf32>
      %parallel_loop3A_70 = arith.subf %parallel_loop3A_64, %parallel_loop3A_69 : vector<16xf32>
      %parallel_loop3A_71 = arith.constant 16 : i32
      %parallel_loop3A_72 = vector.broadcast %parallel_loop3A_71 : i32 to vector<16xi32>
      %parallel_loop3A_73 = arith.muli %parallel_loop3A_68, %parallel_loop3A_72 : vector<16xi32>
      %parallel_loop3A_74 = arith.constant 4096 : i32
      %parallel_loop3A_75 = vector.broadcast %parallel_loop3A_74 : i32 to vector<16xi32>
      %parallel_loop3A_76 = arith.addi %iota3A, %parallel_loop3A_75 : vector<16xi32>
      %parallel_loop3A_77 = arith.addi %parallel_loop3A_73, %parallel_loop3A_76 : vector<16xi32>
      %parallel_loop3A_78 = arith.constant 1.000000e+00 : f32
      %parallel_loop3A_79 = vector.broadcast %parallel_loop3A_78 : f32 to vector<16xf32>
      %parallel_loop3A_80 = arith.subf %parallel_loop3A_79, %parallel_loop3A_70 : vector<16xf32>
      tpu.vector_store_idx %arg7[%parallel_loop3A_77], %parallel_loop3A_80 {add = true} : memref<8192xf32, #tpu.memory_space<vmem>>[vector<16xi32>], vector<16xf32>,
      %parallel_loop3A_81 = arith.constant 16 : i32
      %parallel_loop3A_82 = vector.broadcast %parallel_loop3A_81 : i32 to vector<16xi32>
      %parallel_loop3A_83 = arith.addi %parallel_loop3A_77, %parallel_loop3A_82 : vector<16xi32>
      tpu.vector_store_idx %arg7[%parallel_loop3A_83], %parallel_loop3A_70 {add = true} : memref<8192xf32, #tpu.memory_space<vmem>>[vector<16xi32>], vector<16xf32>,
      %parallel_loop3A_84 = arith.mulf %parallel_loop3A_33, %parallel_loop3A_33 : vector<16xf32>
      %parallel_loop3A_85 = arith.addf %parallel_loop3A_28, %parallel_loop3A_84 : vector<16xf32>
      %parallel_loop3A_86 = arith.mulf %parallel_loop3A_37, %parallel_loop3A_37 : vector<16xf32>
      %parallel_loop3A_87 = arith.addf %parallel_loop3A_29, %parallel_loop3A_86 : vector<16xf32>
      scf.yield %parallel_loop3A_85, %parallel_loop3A_87 : vector<16xf32>, vector<16xf32>
    } {sc.loop_unroll_factor = 2 : i64, sc.parallel_access}
    %mul3A_18 = arith.constant 16 : i32
    %mul3A_19 = vector.broadcast %mul3A_18 : i32 to vector<16xi32>
    %mul3A_20 = arith.muli %iota3A, %mul3A_19 : vector<16xi32>
    %parallel_loop3A_21 = arith.constant 0 : i32
    %parallel_loop3A_22 = arith.constant 32 : i32
    %parallel_loop3A_23 = arith.constant 1 : i32
    scf.for %parallel_loop3A_27 = %parallel_loop3A_21 to %parallel_loop3A_22 step %parallel_loop3A_23  : i32 {
      %parallel_loop3A_28 = arith.constant 256 : i32
      %parallel_loop3A_29 = arith.muli %parallel_loop3A_27, %parallel_loop3A_28 : i32
      %parallel_loop3A_30 = vector.broadcast %parallel_loop3A_29 : i32 to vector<16xi32>
      %parallel_loop3A_31 = arith.addi %mul3A_20, %parallel_loop3A_30 : vector<16xi32>
      %parallel_loop3A_32 = tpu.vector_load_idx %arg7[%parallel_loop3A_31] : memref<8192xf32, #tpu.memory_space<vmem>>[vector<16xi32>], vector<16xf32>,
      %parallel_loop3A_33 = arith.constant 1 : i32
      %parallel_loop3A_34 = arith.addi %parallel_loop3A_29, %parallel_loop3A_33 : i32
      %parallel_loop3A_35 = vector.broadcast %parallel_loop3A_34 : i32 to vector<16xi32>
      %parallel_loop3A_36 = arith.addi %mul3A_20, %parallel_loop3A_35 : vector<16xi32>
      %parallel_loop3A_37 = tpu.vector_load_idx %arg7[%parallel_loop3A_36] : memref<8192xf32, #tpu.memory_space<vmem>>[vector<16xi32>], vector<16xf32>,
      %parallel_loop3A_38 = arith.constant 2 : i32
      %parallel_loop3A_39 = arith.addi %parallel_loop3A_29, %parallel_loop3A_38 : i32
      %parallel_loop3A_40 = vector.broadcast %parallel_loop3A_39 : i32 to vector<16xi32>
      %parallel_loop3A_41 = arith.addi %mul3A_20, %parallel_loop3A_40 : vector<16xi32>
      %parallel_loop3A_42 = tpu.vector_load_idx %arg7[%parallel_loop3A_41] : memref<8192xf32, #tpu.memory_space<vmem>>[vector<16xi32>], vector<16xf32>,
      %parallel_loop3A_43 = arith.constant 3 : i32
      %parallel_loop3A_44 = arith.addi %parallel_loop3A_29, %parallel_loop3A_43 : i32
      %parallel_loop3A_45 = vector.broadcast %parallel_loop3A_44 : i32 to vector<16xi32>
      %parallel_loop3A_46 = arith.addi %mul3A_20, %parallel_loop3A_45 : vector<16xi32>
      %parallel_loop3A_47 = tpu.vector_load_idx %arg7[%parallel_loop3A_46] : memref<8192xf32, #tpu.memory_space<vmem>>[vector<16xi32>], vector<16xf32>,
      %parallel_loop3A_48 = arith.constant 4 : i32
      %parallel_loop3A_49 = arith.addi %parallel_loop3A_29, %parallel_loop3A_48 : i32
      %parallel_loop3A_50 = vector.broadcast %parallel_loop3A_49 : i32 to vector<16xi32>
      %parallel_loop3A_51 = arith.addi %mul3A_20, %parallel_loop3A_50 : vector<16xi32>
      %parallel_loop3A_52 = tpu.vector_load_idx %arg7[%parallel_loop3A_51] : memref<8192xf32, #tpu.memory_space<vmem>>[vector<16xi32>], vector<16xf32>,
      %parallel_loop3A_53 = arith.addf %parallel_loop3A_32, %parallel_loop3A_52 : vector<16xf32>
      %parallel_loop3A_54 = arith.constant 4 : i32
      %parallel_loop3A_55 = arith.addi %parallel_loop3A_29, %parallel_loop3A_54 : i32
      %parallel_loop3A_56 = arith.constant 1 : i32
      %parallel_loop3A_57 = arith.addi %parallel_loop3A_55, %parallel_loop3A_56 : i32
      %parallel_loop3A_58 = vector.broadcast %parallel_loop3A_57 : i32 to vector<16xi32>
      %parallel_loop3A_59 = arith.addi %mul3A_20, %parallel_loop3A_58 : vector<16xi32>
      %parallel_loop3A_60 = tpu.vector_load_idx %arg7[%parallel_loop3A_59] : memref<8192xf32, #tpu.memory_space<vmem>>[vector<16xi32>], vector<16xf32>,
      %parallel_loop3A_61 = arith.addf %parallel_loop3A_37, %parallel_loop3A_60 : vector<16xf32>
      %parallel_loop3A_62 = arith.constant 4 : i32
      %parallel_loop3A_63 = arith.addi %parallel_loop3A_29, %parallel_loop3A_62 : i32
      %parallel_loop3A_64 = arith.constant 2 : i32
      %parallel_loop3A_65 = arith.addi %parallel_loop3A_63, %parallel_loop3A_64 : i32
      %parallel_loop3A_66 = vector.broadcast %parallel_loop3A_65 : i32 to vector<16xi32>
      %parallel_loop3A_67 = arith.addi %mul3A_20, %parallel_loop3A_66 : vector<16xi32>
      %parallel_loop3A_68 = tpu.vector_load_idx %arg7[%parallel_loop3A_67] : memref<8192xf32, #tpu.memory_space<vmem>>[vector<16xi32>], vector<16xf32>,
      %parallel_loop3A_69 = arith.addf %parallel_loop3A_42, %parallel_loop3A_68 : vector<16xf32>
      %parallel_loop3A_70 = arith.constant 4 : i32
      %parallel_loop3A_71 = arith.addi %parallel_loop3A_29, %parallel_loop3A_70 : i32
      %parallel_loop3A_72 = arith.constant 3 : i32
      %parallel_loop3A_73 = arith.addi %parallel_loop3A_71, %parallel_loop3A_72 : i32
      %parallel_loop3A_74 = vector.broadcast %parallel_loop3A_73 : i32 to vector<16xi32>
      %parallel_loop3A_75 = arith.addi %mul3A_20, %parallel_loop3A_74 : vector<16xi32>
      %parallel_loop3A_76 = tpu.vector_load_idx %arg7[%parallel_loop3A_75] : memref<8192xf32, #tpu.memory_space<vmem>>[vector<16xi32>], vector<16xf32>,
      %parallel_loop3A_77 = arith.addf %parallel_loop3A_47, %parallel_loop3A_76 : vector<16xf32>
      %parallel_loop3A_78 = arith.constant 8 : i32
      %parallel_loop3A_79 = arith.addi %parallel_loop3A_29, %parallel_loop3A_78 : i32
      %parallel_loop3A_80 = vector.broadcast %parallel_loop3A_79 : i32 to vector<16xi32>
      %parallel_loop3A_81 = arith.addi %mul3A_20, %parallel_loop3A_80 : vector<16xi32>
      %parallel_loop3A_82 = tpu.vector_load_idx %arg7[%parallel_loop3A_81] : memref<8192xf32, #tpu.memory_space<vmem>>[vector<16xi32>], vector<16xf32>,
      %parallel_loop3A_83 = arith.addf %parallel_loop3A_53, %parallel_loop3A_82 : vector<16xf32>
      %parallel_loop3A_84 = arith.constant 8 : i32
      %parallel_loop3A_85 = arith.addi %parallel_loop3A_29, %parallel_loop3A_84 : i32
      %parallel_loop3A_86 = arith.constant 1 : i32
      %parallel_loop3A_87 = arith.addi %parallel_loop3A_85, %parallel_loop3A_86 : i32
      %parallel_loop3A_88 = vector.broadcast %parallel_loop3A_87 : i32 to vector<16xi32>
      %parallel_loop3A_89 = arith.addi %mul3A_20, %parallel_loop3A_88 : vector<16xi32>
      %parallel_loop3A_90 = tpu.vector_load_idx %arg7[%parallel_loop3A_89] : memref<8192xf32, #tpu.memory_space<vmem>>[vector<16xi32>], vector<16xf32>,
      %parallel_loop3A_91 = arith.addf %parallel_loop3A_61, %parallel_loop3A_90 : vector<16xf32>
      %parallel_loop3A_92 = arith.constant 8 : i32
      %parallel_loop3A_93 = arith.addi %parallel_loop3A_29, %parallel_loop3A_92 : i32
      %parallel_loop3A_94 = arith.constant 2 : i32
      %parallel_loop3A_95 = arith.addi %parallel_loop3A_93, %parallel_loop3A_94 : i32
      %parallel_loop3A_96 = vector.broadcast %parallel_loop3A_95 : i32 to vector<16xi32>
      %parallel_loop3A_97 = arith.addi %mul3A_20, %parallel_loop3A_96 : vector<16xi32>
      %parallel_loop3A_98 = tpu.vector_load_idx %arg7[%parallel_loop3A_97] : memref<8192xf32, #tpu.memory_space<vmem>>[vector<16xi32>], vector<16xf32>,
      %parallel_loop3A_99 = arith.addf %parallel_loop3A_69, %parallel_loop3A_98 : vector<16xf32>
      %parallel_loop3A_100 = arith.constant 8 : i32
      %parallel_loop3A_101 = arith.addi %parallel_loop3A_29, %parallel_loop3A_100 : i32
      %parallel_loop3A_102 = arith.constant 3 : i32
      %parallel_loop3A_103 = arith.addi %parallel_loop3A_101, %parallel_loop3A_102 : i32
      %parallel_loop3A_104 = vector.broadcast %parallel_loop3A_103 : i32 to vector<16xi32>
      %parallel_loop3A_105 = arith.addi %mul3A_20, %parallel_loop3A_104 : vector<16xi32>
      %parallel_loop3A_106 = tpu.vector_load_idx %arg7[%parallel_loop3A_105] : memref<8192xf32, #tpu.memory_space<vmem>>[vector<16xi32>], vector<16xf32>,
      %parallel_loop3A_107 = arith.addf %parallel_loop3A_77, %parallel_loop3A_106 : vector<16xf32>
      %parallel_loop3A_108 = arith.constant 12 : i32
      %parallel_loop3A_109 = arith.addi %parallel_loop3A_29, %parallel_loop3A_108 : i32
      %parallel_loop3A_110 = vector.broadcast %parallel_loop3A_109 : i32 to vector<16xi32>
      %parallel_loop3A_111 = arith.addi %mul3A_20, %parallel_loop3A_110 : vector<16xi32>
      %parallel_loop3A_112 = tpu.vector_load_idx %arg7[%parallel_loop3A_111] : memref<8192xf32, #tpu.memory_space<vmem>>[vector<16xi32>], vector<16xf32>,
      %parallel_loop3A_113 = arith.addf %parallel_loop3A_83, %parallel_loop3A_112 : vector<16xf32>
      %parallel_loop3A_114 = arith.constant 12 : i32
      %parallel_loop3A_115 = arith.addi %parallel_loop3A_29, %parallel_loop3A_114 : i32
      %parallel_loop3A_116 = arith.constant 1 : i32
      %parallel_loop3A_117 = arith.addi %parallel_loop3A_115, %parallel_loop3A_116 : i32
      %parallel_loop3A_118 = vector.broadcast %parallel_loop3A_117 : i32 to vector<16xi32>
      %parallel_loop3A_119 = arith.addi %mul3A_20, %parallel_loop3A_118 : vector<16xi32>
      %parallel_loop3A_120 = tpu.vector_load_idx %arg7[%parallel_loop3A_119] : memref<8192xf32, #tpu.memory_space<vmem>>[vector<16xi32>], vector<16xf32>,
      %parallel_loop3A_121 = arith.addf %parallel_loop3A_91, %parallel_loop3A_120 : vector<16xf32>
      %parallel_loop3A_122 = arith.constant 12 : i32
      %parallel_loop3A_123 = arith.addi %parallel_loop3A_29, %parallel_loop3A_122 : i32
      %parallel_loop3A_124 = arith.constant 2 : i32
      %parallel_loop3A_125 = arith.addi %parallel_loop3A_123, %parallel_loop3A_124 : i32
      %parallel_loop3A_126 = vector.broadcast %parallel_loop3A_125 : i32 to vector<16xi32>
      %parallel_loop3A_127 = arith.addi %mul3A_20, %parallel_loop3A_126 : vector<16xi32>
      %parallel_loop3A_128 = tpu.vector_load_idx %arg7[%parallel_loop3A_127] : memref<8192xf32, #tpu.memory_space<vmem>>[vector<16xi32>], vector<16xf32>,
      %parallel_loop3A_129 = arith.addf %parallel_loop3A_99, %parallel_loop3A_128 : vector<16xf32>
      %parallel_loop3A_130 = arith.constant 12 : i32
      %parallel_loop3A_131 = arith.addi %parallel_loop3A_29, %parallel_loop3A_130 : i32
      %parallel_loop3A_132 = arith.constant 3 : i32
      %parallel_loop3A_133 = arith.addi %parallel_loop3A_131, %parallel_loop3A_132 : i32
      %parallel_loop3A_134 = vector.broadcast %parallel_loop3A_133 : i32 to vector<16xi32>
      %parallel_loop3A_135 = arith.addi %mul3A_20, %parallel_loop3A_134 : vector<16xi32>
      %parallel_loop3A_136 = tpu.vector_load_idx %arg7[%parallel_loop3A_135] : memref<8192xf32, #tpu.memory_space<vmem>>[vector<16xi32>], vector<16xf32>,
      %parallel_loop3A_137 = arith.addf %parallel_loop3A_107, %parallel_loop3A_136 : vector<16xf32>
      %parallel_loop3A_138 = arith.addf %parallel_loop3A_113, %parallel_loop3A_121 : vector<16xf32>
      %parallel_loop3A_139 = arith.addf %parallel_loop3A_129, %parallel_loop3A_137 : vector<16xf32>
      %parallel_loop3A_140 = arith.addf %parallel_loop3A_138, %parallel_loop3A_139 : vector<16xf32>
      %parallel_loop3A_141 = arith.constant 16 : i32
      %parallel_loop3A_142 = arith.muli %parallel_loop3A_27, %parallel_loop3A_141 : i32
      %parallel_loop3A_143 = arith.index_cast %parallel_loop3A_142 : i32 to index
      %parallel_loop3A_144 = tpu.vector_load %arg8[%parallel_loop3A_143] {strides = array<i32>} : memref<544xf32, #tpu.memory_space<vmem>>, vector<16xf32>,
      tpu.vector_store %arg8[%parallel_loop3A_143], %parallel_loop3A_140 {strides = array<i32>} : memref<544xf32, #tpu.memory_space<vmem>>, vector<16xf32>,
    } {sc.loop_unroll_factor = 1 : i64, sc.parallel_access}
    %swap3A = arith.constant 512 : index
    %swap3A_24 = tpu.vector_load %arg8[%swap3A] {strides = array<i32>} : memref<544xf32, #tpu.memory_space<vmem>>, vector<16xf32>,
    tpu.vector_store %arg8[%swap3A], %parallel_loop3A_17#0 {strides = array<i32>} : memref<544xf32, #tpu.memory_space<vmem>>, vector<16xf32>,
    %swap3A_25 = arith.constant 528 : index
    %swap3A_26 = tpu.vector_load %arg8[%swap3A_25] {strides = array<i32>} : memref<544xf32, #tpu.memory_space<vmem>>, vector<16xf32>,
    tpu.vector_store %arg8[%swap3A_25], %parallel_loop3A_17#1 {strides = array<i32>} : memref<544xf32, #tpu.memory_space<vmem>>, vector<16xf32>,
    "tpu.region"() ({
      %run_scoped3A = tpu.sem_alloc : memref<!tpu.dma_semaphore, #tpu.memory_space<semaphore_mem>>
      %dma_start3A_27 = arith.constant 0 : i32
      %dma_start3A_28 = tpu.memref_slice %arg4[%add3A, %dma_start3A_27] : memref<32x544xf32, #tpu.memory_space<hbm>> -> memref<1x544xf32, #tpu.memory_space<hbm>>
      %dma_start3A_29 = tpu.memref_squeeze %dma_start3A_28 : memref<1x544xf32, #tpu.memory_space<hbm>> -> memref<544xf32, #tpu.memory_space<hbm>>
      %dma_start3A_30 = arith.constant 0 : i32
      %dma_start3A_31 = tpu.memref_slice %arg4[%add3A, %dma_start3A_30] : memref<32x544xf32, #tpu.memory_space<hbm>> -> memref<1x544xf32, #tpu.memory_space<hbm>>
      %dma_start3A_32 = tpu.memref_squeeze %dma_start3A_31 : memref<1x544xf32, #tpu.memory_space<hbm>> -> memref<544xf32, #tpu.memory_space<hbm>>
      tpu.enqueue_dma source(%arg8 : memref<544xf32, #tpu.memory_space<vmem>>) target(%dma_start3A_32 : memref<544xf32, #tpu.memory_space<hbm>>) target_semaphore(%run_scoped3A : memref<!tpu.dma_semaphore, #tpu.memory_space<semaphore_mem>>)
      %dma_wait3A_33 = arith.constant 0 : i32
      %dma_wait3A_34 = tpu.memref_slice %arg4[%add3A, %dma_wait3A_33] : memref<32x544xf32, #tpu.memory_space<hbm>> -> memref<1x544xf32, #tpu.memory_space<hbm>>
      %dma_wait3A_35 = tpu.memref_squeeze %dma_wait3A_34 : memref<1x544xf32, #tpu.memory_space<hbm>> -> memref<544xf32, #tpu.memory_space<hbm>>
      %dma_wait3A_36 = arith.constant 0 : i32
      %dma_wait3A_37 = tpu.memref_slice %arg4[%add3A, %dma_wait3A_36] : memref<32x544xf32, #tpu.memory_space<hbm>> -> memref<1x544xf32, #tpu.memory_space<hbm>>
      %dma_wait3A_38 = tpu.memref_squeeze %dma_wait3A_37 : memref<1x544xf32, #tpu.memory_space<hbm>> -> memref<544xf32, #tpu.memory_space<hbm>>
      tpu.wait_dma2 semaphore(%run_scoped3A : memref<!tpu.dma_semaphore, #tpu.memory_space<semaphore_mem>>) src(%arg8 : memref<544xf32, #tpu.memory_space<vmem>>) dst(%dma_wait3A_38 : memref<544xf32, #tpu.memory_space<hbm>>)
      tpu.yield
    }) : () -> ()
    return
  }
}

module attributes {stable_mosaic.version = 14 : i64} {
  func.func @_tc_epilogue(%arg0: memref<32x544xf32, #tpu.memory_space<vmem>>, %arg1: memref<1x1xf32, #tpu.memory_space<vmem>>) attributes {dimension_semantics = [], scalar_prefetch = 0 : i64, scratch_operands = 0 : i64, tpu.core_type = #tpu.core_type<tc>} {
    %get3A = arith.constant 0 : index
    %get3A_0 = arith.constant 0 : index
    %get3A_1 = vector.load %arg0[%get3A, %get3A_0] : memref<32x544xf32, #tpu.memory_space<vmem>>, vector<32x544xf32>
    %reduce_sum3A = arith.constant dense<0.000000e+00> : vector<544xf32>
    %reduce_sum3A_2 = vector.multi_reduction <add>, %get3A_1, %reduce_sum3A [0] : vector<32x544xf32> to vector<544xf32>
    %broadcast_in_dim3A = vector.shape_cast %reduce_sum3A_2 : vector<544xf32> to vector<1x544xf32>
    %slice3A = vector.extract_strided_slice %broadcast_in_dim3A {offsets = [0, 0], sizes = [1, 256], strides = [1, 1]} : vector<1x544xf32> to vector<1x256xf32>
    %slice3A_3 = vector.extract_strided_slice %broadcast_in_dim3A {offsets = [0, 256], sizes = [1, 256], strides = [1, 1]} : vector<1x544xf32> to vector<1x256xf32>
    %slice3A_4 = vector.extract_strided_slice %broadcast_in_dim3A {offsets = [0, 512], sizes = [1, 32], strides = [1, 1]} : vector<1x544xf32> to vector<1x32xf32>
    %iota3A = tpu.iota {dimensions = array<i32: 0>} : vector<256x256xi32>
    %iota3A_5 = tpu.iota {dimensions = array<i32: 1>} : vector<256x256xi32>
    %le3A = arith.cmpi sle, %iota3A, %iota3A_5 : vector<256x256xi32>
    %convert_element_type3A = arith.extui %le3A : vector<256x256xi1> to vector<256x256xi32>
    %convert_element_type3A_6 = arith.sitofp %convert_element_type3A : vector<256x256xi32> to vector<256x256xf32>
    %broadcast_in_dim3A_7 = vector.shape_cast %slice3A_3 : vector<1x256xf32> to vector<1x256xf32>
    %broadcast_in_dim3A_8 = vector.broadcast %broadcast_in_dim3A_7 : vector<1x256xf32> to vector<8x256xf32>
    %dot_general3A = arith.constant dense<0.000000e+00> : vector<8x256xf32>
    %dot_general3A_9 = tpu.matmul %broadcast_in_dim3A_8, %convert_element_type3A_6, %dot_general3A {dimension_numbers = #tpu.dot_dimension_numbers<[1], [0], [0], [1], [0, 0, 1, 1], [], []>, precision = #tpu.contract_precision<fp32>, transpose_lhs_hint = false} : vector<8x256xf32>, vector<256x256xf32>, vector<8x256xf32> -> vector<8x256xf32>
    %slice3A_10 = vector.extract_strided_slice %dot_general3A_9 {offsets = [0, 0], sizes = [1, 256], strides = [1, 1]} : vector<8x256xf32> to vector<1x256xf32>
    %mul3A = arith.mulf %slice3A, %slice3A_10 : vector<1x256xf32>
    %reduce_sum3A_11 = vector.shape_cast %mul3A : vector<1x256xf32> to vector<1x1x256xf32>
    %reduce_sum3A_12 = arith.constant dense<0.000000e+00> : vector<1xf32>
    %reduce_sum3A_13 = vector.multi_reduction <add>, %reduce_sum3A_11, %reduce_sum3A_12 [1, 2] : vector<1x1x256xf32> to vector<1xf32>
    %reduce_sum3A_14 = vector.shape_cast %reduce_sum3A_13 : vector<1xf32> to vector<1x1x1xf32>
    %reduce_sum3A_15 = vector.extract %reduce_sum3A_14[0, 0, 0] : f32 from vector<1x1x1xf32>
    %iota3A_16 = tpu.iota {dimensions = array<i32: 1>} : vector<1x256xi32>
    %convert_element_type3A_17 = arith.sitofp %iota3A_16 : vector<1x256xi32> to vector<1x256xf32>
    %mul3A_18 = arith.mulf %slice3A, %convert_element_type3A_17 : vector<1x256xf32>
    %reduce_sum3A_19 = vector.shape_cast %mul3A_18 : vector<1x256xf32> to vector<1x1x256xf32>
    %reduce_sum3A_20 = arith.constant dense<0.000000e+00> : vector<1xf32>
    %reduce_sum3A_21 = vector.multi_reduction <add>, %reduce_sum3A_19, %reduce_sum3A_20 [1, 2] : vector<1x1x256xf32> to vector<1xf32>
    %reduce_sum3A_22 = vector.shape_cast %reduce_sum3A_21 : vector<1xf32> to vector<1x1x1xf32>
    %reduce_sum3A_23 = vector.extract %reduce_sum3A_22[0, 0, 0] : f32 from vector<1x1x1xf32>
    %mul3A_24 = arith.constant 0.00784313772 : f32
    %mul3A_25 = arith.mulf %mul3A_24, %reduce_sum3A_23 : f32
    %mul3A_26 = arith.constant 1.310720e+05 : f32
    %mul3A_27 = arith.constant -1.000000e+00 : f32
    %mul3A_28 = arith.mulf %mul3A_26, %mul3A_27 : f32
    %add3A = arith.addf %mul3A_25, %mul3A_28 : f32
    %mul3A_29 = arith.mulf %slice3A_3, %convert_element_type3A_17 : vector<1x256xf32>
    %reduce_sum3A_30 = vector.shape_cast %mul3A_29 : vector<1x256xf32> to vector<1x1x256xf32>
    %reduce_sum3A_31 = arith.constant dense<0.000000e+00> : vector<1xf32>
    %reduce_sum3A_32 = vector.multi_reduction <add>, %reduce_sum3A_30, %reduce_sum3A_31 [1, 2] : vector<1x1x256xf32> to vector<1xf32>
    %reduce_sum3A_33 = vector.shape_cast %reduce_sum3A_32 : vector<1xf32> to vector<1x1x1xf32>
    %reduce_sum3A_34 = vector.extract %reduce_sum3A_33[0, 0, 0] : f32 from vector<1x1x1xf32>
    %mul3A_35 = arith.constant 0.00784313772 : f32
    %mul3A_36 = arith.mulf %mul3A_35, %reduce_sum3A_34 : f32
    %mul3A_37 = arith.constant 1.310720e+05 : f32
    %mul3A_38 = arith.constant -1.000000e+00 : f32
    %mul3A_39 = arith.mulf %mul3A_37, %mul3A_38 : f32
    %add3A_40 = arith.addf %mul3A_36, %mul3A_39 : f32
    %slice3A_41 = vector.extract_strided_slice %slice3A_4 {offsets = [0, 0], sizes = [1, 16], strides = [1, 1]} : vector<1x32xf32> to vector<1x16xf32>
    %reduce_sum3A_42 = vector.shape_cast %slice3A_41 : vector<1x16xf32> to vector<1x1x16xf32>
    %reduce_sum3A_43 = arith.constant dense<0.000000e+00> : vector<1xf32>
    %reduce_sum3A_44 = vector.multi_reduction <add>, %reduce_sum3A_42, %reduce_sum3A_43 [1, 2] : vector<1x1x16xf32> to vector<1xf32>
    %reduce_sum3A_45 = vector.shape_cast %reduce_sum3A_44 : vector<1xf32> to vector<1x1x1xf32>
    %reduce_sum3A_46 = vector.extract %reduce_sum3A_45[0, 0, 0] : f32 from vector<1x1x1xf32>
    %slice3A_47 = vector.extract_strided_slice %slice3A_4 {offsets = [0, 16], sizes = [1, 16], strides = [1, 1]} : vector<1x32xf32> to vector<1x16xf32>
    %reduce_sum3A_48 = vector.shape_cast %slice3A_47 : vector<1x16xf32> to vector<1x1x16xf32>
    %reduce_sum3A_49 = arith.constant dense<0.000000e+00> : vector<1xf32>
    %reduce_sum3A_50 = vector.multi_reduction <add>, %reduce_sum3A_48, %reduce_sum3A_49 [1, 2] : vector<1x1x16xf32> to vector<1xf32>
    %reduce_sum3A_51 = vector.shape_cast %reduce_sum3A_50 : vector<1xf32> to vector<1x1x1xf32>
    %reduce_sum3A_52 = vector.extract %reduce_sum3A_51[0, 0, 0] : f32 from vector<1x1x1xf32>
    %mul3A_53 = arith.mulf %add3A, %add3A : f32
    %div3A = arith.constant 1.310720e+05 : f32
    %div3A_54 = arith.divf %mul3A_53, %div3A : f32
    %sub3A = arith.subf %reduce_sum3A_46, %div3A_54 : f32
    %max3A = arith.constant 0.000000e+00 : f32
    %max3A_55 = arith.maximumf %sub3A, %max3A : f32
    %sub3A_56 = arith.constant 1.310720e+05 : f32
    %sub3A_57 = arith.constant 1.000000e+00 : f32
    %sub3A_58 = arith.subf %sub3A_56, %sub3A_57 : f32
    %div3A_59 = arith.divf %max3A_55, %sub3A_58 : f32
    %mul3A_60 = arith.mulf %add3A_40, %add3A_40 : f32
    %div3A_61 = arith.constant 1.310720e+05 : f32
    %div3A_62 = arith.divf %mul3A_60, %div3A_61 : f32
    %sub3A_63 = arith.subf %reduce_sum3A_52, %div3A_62 : f32
    %max3A_64 = arith.constant 0.000000e+00 : f32
    %max3A_65 = arith.maximumf %sub3A_63, %max3A_64 : f32
    %sub3A_66 = arith.constant 1.310720e+05 : f32
    %sub3A_67 = arith.constant 1.000000e+00 : f32
    %sub3A_68 = arith.subf %sub3A_66, %sub3A_67 : f32
    %div3A_69 = arith.divf %max3A_65, %sub3A_68 : f32
    %sqrt3A = math.sqrt %div3A_59 : f32
    %sqrt3A_70 = math.sqrt %div3A_69 : f32
    %add3A_71 = arith.addf %sqrt3A, %sqrt3A_70 : f32
    %mul3A_72 = arith.constant 1.000000e-01 : f32
    %mul3A_73 = arith.mulf %mul3A_72, %add3A_71 : f32
    %mul3A_74 = arith.constant 1.310720e+05 : f32
    %mul3A_75 = arith.constant 1.310720e+05 : f32
    %mul3A_76 = arith.mulf %mul3A_74, %mul3A_75 : f32
    %div3A_77 = arith.divf %reduce_sum3A_15, %mul3A_76 : f32
    %add3A_78 = arith.addf %div3A_77, %mul3A_73 : f32
    %broadcast_in_dim3A_79 = vector.broadcast %add3A_78 : f32 to vector<1x1xf32>
    %swap3A = arith.constant 0 : index
    %swap3A_80 = arith.constant 0 : index
    %swap3A_81 = vector.load %arg1[%swap3A, %swap3A_80] : memref<1x1xf32, #tpu.memory_space<vmem>>, vector<1x1xf32>
    tpu.vector_store %arg1[%swap3A, %swap3A_80], %broadcast_in_dim3A_79 {strides = array<i32>} : memref<1x1xf32, #tpu.memory_space<vmem>>, vector<1x1xf32>,
    return
  }
}

</mosaic_0001>

<sc_bundles>
// kernel: kernel.4.cloned.1.call-start
scs
__scs_entry_jumppad:
0x0: {  	(pc) =	sbr.rel $0x88, $3  }
0x1: {  	(tag) =	ssettag $0x0;
	lr =	simm.s32 $0x1  }
0x2: {  	[smem:$0x3F9F] =	sst lr;
	_ =	strace $0xD0000000  }
0x3: {  	_ = 	snop  }
0x4: {  	_ = 	snop  }
0x5: {  	_ = 	snop  }
0x6: {  	_ = 	snop  }
0x7: {  	_ = 	snop  }
__scs_overlays_trampoline_lowered:
0x8: {  	[smem:$0x3FAE] =	sst s0  }
0x9: {  	[smem:$0x3FAF] =	sst s1  }
0xa: {  	[smem:$0x3FB0] =	sst s2  }
0xb: {  	[smem:$0x3FB1] =	sst s3  }
0xc: {  	[smem:$0x3FB2] =	sst s4  }
0xd: {  	[smem:$0x3FB3] =	sst s5  }
0xe: {  	[smem:$0x3FB4] =	sst s6  }
0xf: {  	[smem:$0x3FB5] =	sst s7  }
0x10: {  	[smem:$0x3FB6] =	sst s8  }
0x11: {  	[smem:$0x3FB7] =	sst s9;
	s0 =	simm.s32 @!p0 $0x0  }
0x12: {  	s1 =	sld [smem:$0x3F9D];
	s0 =	simm.s32 @p0 $0x1  }
0x13: {  	[smem:$0x3FB8] =	sst s0;
	s0 =	simm.s32 @!p1 $0x0  }
0x14: {  	s2 =	sld [smem:$0x3F9C];
	s0 =	simm.s32 @p1 $0x1  }
0x15: {  	[smem:$0x3FB9] =	sst s0;
	s0 =	simm.s32 @!p2 $0x0  }
0x16: {  	s3 =	sld [smem:$0x3FDB];
	s0 =	simm.s32 @p2 $0x1  }
0x17: {  	s4 =	simm.s32 $0x1BF5;
	[smem:$0x3FBB] =	sst s0  }
0x18: {  	s0 =	sld [smem:$0x3F9E];
	_ =	swait.ge [sflag:s4], $0x0  }
0x19: {  	s7 =	sld [smem:$0x3F9F]  }
0x1a: {  	s8 =	sadd.s32 $0xFFFFE003, lr  }
0x1b: {  	s9 =	sadd.s32 $0xFFFFFEF7, lr;
	s5 =	simm.s32 $0xFFFFFFFF;
	p2 =	slt.u32 s8, $0xFFFFF086  }
0x1c: {  	p1 =	slt.u32 s9, $0xF7A;
	s5 =	simm.s32 @!p2 $0x0  }
0x1d: {  	s5 =	simm.s32 @p1 $0x1;
	p0 =	seq.s32 s7, s2  }
0x1e: {  	s7 =	smul.u32 @!p0 $0xF7A, s2;
	p2 =	seq.s32 @!p0 s5, $0x0  }
0x1f: {  	s9 =	smul.u32 $0xF7A, s1;
	s8 =	simm.s32 @!p0 $0x1BF5;
	p2 =	por !p2, p0  }
0x20: {  	[sflag:s8] =	ssyncset.s32 @!p0 $0xFFFFF086;
	s6 =	sadd.s32 @!p0 s3, s7;
	s7 =	simm.s32 @!p0 $0x108  }
0x21: {  	s3 =	sadd.s32 s3, s9;
	s6 =	sadd.s32 @!p0 $0x88, s6;
	s7 =	simm.s32 @p2 $0x1082  }
0x22: {  	[simem:s7], [sflag:s8] =	dma.local @!p0 [hbm:s6], $0xF7A  }
0x23: {  	s9 =	sor.u32 $0xD0000000, s2;
	s6 =	simm.s32 $0x108;
	_ =	swait.ge @!p0 [sflag:s8], $0x0  }
0x24: {  	s3 =	sadd.s32 $0x88, s3;
	s6 =	simm.s32 @!p1 $0x1082;
	[sflag:s4] =	ssyncset.s32 $0xFFFFF086  }
0x25: {  	[simem:s6], [sflag:s4] =	dma.local [hbm:s3], $0xF7A  }
0x26: {  	[smem:$0x3F9F] =	sst s1;
	(tag) =	ssettag s2;
	_ =	strace s9  }
0x27: {  	s1 =	sld [smem:$0x3FAF]  }
0x28: {  	s2 =	sld [smem:$0x3FB0]  }
0x29: {  	s4 =	sld [smem:$0x3FB2]  }
0x2a: {  	p0 =	seq.s32 s5, $0x0;
	s5 =	sld [smem:$0x3FB3]  }
0x2b: {  	s6 =	sld [smem:$0x3FB4]  }
0x2c: {  	s7 =	sld [smem:$0x3FB5]  }
0x2d: {  	s3 =	simm.s32 $0x108;
	s8 =	sld [smem:$0x3FB6]  }
0x2e: {  	s3 =	simm.s32 @!p0 $0x1082;
	s9 =	sld [smem:$0x3FB7]  }
0x2f: {  	lr =	sadd.s32 s0, s3;
	s0 =	sld [smem:$0x3FAE]  }
0x30: {  	s3 =	sld [smem:$0x3FB1]  }
0x31: {  	[smem:$0x3FBA] =	sst s10  }
0x32: {  	s10 =	sld [smem:$0x3FB8];
	_ =	sdelay $0x3  }
0x33: {  	p0 =	seq.s32 s10, $0x1;
	s10 =	sld [smem:$0x3FBA];
	_ =	sdelay $0x3  }
0x34: {  	[smem:$0x3FBA] =	sst s10  }
0x35: {  	s10 =	sld [smem:$0x3FB9];
	_ =	sdelay $0x3  }
0x36: {  	p1 =	seq.s32 s10, $0x1;
	s10 =	sld [smem:$0x3FBA];
	_ =	sdelay $0x3  }
0x37: {  	[smem:$0x3FBA] =	sst s10  }
0x38: {  	s10 =	sld [smem:$0x3FBB]  }
0x39: {  	_ = 	snop;
	(pc) =	sbr.ind lr, $3  }
0x3a: {  	_ = 	snop  }
0x3b: {  	_ = 	snop  }
0x3c: {  	p2 =	seq.s32 s10, $0x1;
	s10 =	sld [smem:$0x3FBA]  }
0x3d: {  	_ =	shalt  }
0x3e: {  	_ =	shalt  }
0x3f: {  	_ =	shalt  }
0x40: {  	_ =	shalt  }
0x41: {  	_ =	shalt  }
0x42: {  	_ =	shalt  }
0x43: {  	_ =	shalt  }
0x44: {  	_ =	shalt  }
0x45: {  	_ =	shalt  }
0x46: {  	_ =	shalt  }
0x47: {  	_ =	shalt  }
0x48: {  	_ =	shalt  }
0x49: {  	_ =	shalt  }
0x4a: {  	_ =	shalt  }
0x4b: {  	_ =	shalt  }
0x4c: {  	_ =	shalt  }
0x4d: {  	_ =	shalt  }
0x4e: {  	_ =	shalt  }
0x4f: {  	_ =	shalt  }
0x50: {  	_ =	shalt  }
0x51: {  	_ =	shalt  }
0x52: {  	_ =	shalt  }
0x53: {  	_ =	shalt  }
0x54: {  	_ =	shalt  }
0x55: {  	_ =	shalt  }
0x56: {  	_ =	shalt  }
0x57: {  	_ =	shalt  }
0x58: {  	_ =	shalt  }
0x59: {  	_ =	shalt  }
0x5a: {  	_ =	shalt  }
0x5b: {  	_ =	shalt  }
0x5c: {  	_ =	shalt  }
0x5d: {  	_ =	shalt  }
0x5e: {  	_ =	shalt  }
0x5f: {  	_ =	shalt  }
0x60: {  	_ =	shalt  }
0x61: {  	_ =	shalt  }
0x62: {  	_ =	shalt  }
0x63: {  	_ =	shalt  }
0x64: {  	_ =	shalt  }
0x65: {  	_ =	shalt  }
0x66: {  	_ =	shalt  }
0x67: {  	_ =	shalt  }
0x68: {  	_ =	shalt  }
0x69: {  	_ =	shalt  }
0x6a: {  	_ =	shalt  }
0x6b: {  	_ =	shalt  }
0x6c: {  	_ =	shalt  }
0x6d: {  	_ =	shalt  }
0x6e: {  	_ =	shalt  }
0x6f: {  	_ =	shalt  }
0x70: {  	_ =	shalt  }
0x71: {  	_ =	shalt  }
0x72: {  	_ =	shalt  }
0x73: {  	_ =	shalt  }
0x74: {  	_ =	shalt  }
0x75: {  	_ =	shalt  }
0x76: {  	_ =	shalt  }
0x77: {  	_ =	shalt  }
0x78: {  	_ =	shalt  }
0x79: {  	_ =	shalt  }
0x7a: {  	_ =	shalt  }
0x7b: {  	_ =	shalt  }
0x7c: {  	_ =	shalt  }
0x7d: {  	_ =	shalt  }
0x7e: {  	_ =	shalt  }
0x7f: {  	_ =	shalt  }
0x80: {  	_ =	shalt  }
0x81: {  	_ =	shalt  }
0x82: {  	_ =	shalt  }
0x83: {  	_ =	shalt  }
0x84: {  	_ =	shalt  }
0x85: {  	_ =	shalt  }
0x86: {  	_ =	shalt  }
0x87: {  	_ =	shalt  }
.Lfunc_end0:
.L_simem_size_0:
called_computation_lowered:
.L_overlay_start_0:
0x88: {  	s2 =	sld [smem:$0x3FD9]  }
0x89: {  	s3 =	sld [smem:$0x3FFE];
	_ =	sdelay $0x1  }
0x8a: {  	s1 =	srdreg.scid  }
0x8b: {  	s0 =	sand.u32 $0x1, s1  }
0x8c: {  	s17 =	sshll.u32 s0, $0xA;
	s2 =	sadd.s32 s3, s2  }
0x8d: {  	s2 =	sadd.s32 s2, s17  }
0x8e: {  	[smem:$0x3FC6] =	sst s2  }
0x8f: {  	_ = 	snop  }
0x90: {  	s2 =	sld [smem:$0x3FC9]  }
0x91: {  	s18 =	sld [smem:$0x3FC8];
	(tm) =	ssettm $0x1  }
0x92: {  	s4 =	sld [smem:$0x3FFB];
	_ =	sdelay $0x3  }
0x93: {  	_ =	strace s4  }
0x94: {  	s4 =	sld [smem:$0x3FFC];
	_ =	sdelay $0x3  }
0x95: {  	_ =	strace s4  }
0x96: {  	s4 =	sld [smem:$0x3FFD];
	_ =	sdelay $0x3  }
0x97: {  	_ =	strace s4  }
0x98: {  	_ =	strace $0x8FFFFFFF  }
0x99: {  	s19 =	sld [smem:$0x3FDB];
	_ =	sdelay $0x1  }
0x9a: {  	s5 =	simm.s32 $_scs_section_size  }
0x9b: {  	s6 =	simm.s32 $_size__tile_overlayer_lowered;
	s7 =	simm.s32 $_tile_overlayer_lowered  }
0x9c: {  	s22 =	simm.s32 $0x1BFF;
	s21 =	sshll.u32 s7, $0x1;
	s4 =	sadd.s32 s5, s19  }
0x9d: {  	s8 =	simm.s32 $0x0;
	s20 =	sshll.u32 s6, $0x1;
	s6 =	sadd.s32 s21, s4  }
0x9e: {  	[timem:s8], [sflag:s22] =	dma.local [hbm:s6], s20  }
0x9f: {  	_ =	swait.ge [sflag:s22], s20  }
0xa0: {  	s5 =	ssub.s32 $0x0, s20;
	[sflag:s22] =	ssyncset.done $0x0  }
0xa1: {  	[sflag:s22] =	ssyncadd.s32 s5;
	_ =	sdelay $0x1  }
0xa2: {  	s23 =	simm.s32 $0x1B8B  }
0xa3: {  	_ =	swait.ge [sflag:s23], $0x1  }
0xa4: {  	[sflag:s23] =	ssyncset.done $0x0  }
0xa5: {  	s25 =	simm.s32 $0x1B8E;
	s24 =	sld [smem:$0x3FFE];
	[sflag:s23] =	ssyncadd.s32 $0xFFFFFFFF  }
0xa6: {  	s26 =	simm.s32 $execute0_lowered;
	[smem:$0x3FD2] =	sst s25  }
0xa7: {  	s6 =	sshll.u32 s26, $0x1;
	_ =	strace $0x80000046;
	[dreg:$0x1] =	wrdreg $0xFFFFFFFF  }
0xa8: {  	s28 =	simm.s32 $_size_execute0_lowered;
	s4 =	sadd.s32 s4, s6;
	[dreg:$0x0] =	wrdreg $0x0  }
0xa9: {  	s6 =	sshll.u32 s28, $0x1;
	[dreg:$0x2] =	wrdreg s4  }
0xaa: {  	[dreg:$0x3] =	wrdreg s6  }
0xab: {  	[dreg:$0x4] =	wrdreg $0xC0  }
0xac: {  	_ =	task [dreg:s8], $0x5FFFF  }
0xad: {  	[dreg:$0x1] =	wrdreg $0xFFFFFFFF  }
0xae: {  	[dreg:$0x0] =	wrdreg $0x60  }
0xaf: {  	[dreg:$0x2] =	wrdreg s2  }
0xb0: {  	[dreg:$0x3] =	wrdreg s18  }
0xb1: {  	[dreg:$0x4] =	wrdreg s24  }
0xb2: {  	[dreg:$0x5] =	wrdreg $0x9  }
0xb3: {  	_ =	task.clear_ibuf [dreg:s8], $0x6FFFF;
	_ =	strace $0x90000046  }
0xb4: {  	s29 =	simm.s32 $0x9;
	_ =	strace $0x80000048  }
0xb5: {  	_ =	swait.ge [sflag:s29], $0x1  }
0xb6: {  	[sflag:s29] =	ssyncadd.s32 $0xFFFFFFFF  }
0xb7: {  	_ =	strace $0x90000048  }
0xb8: {  	_ =	sfence  }
0xb9: {  	s30 =	sld [smem:$0x0];
	_ =	sdelay $0x2  }
0xba: {  	s31 =	sshll.u32 s1, $0xD;
	s1 =	sshrl.u32 s1, $0x2  }
0xbb: {  	s3 =	sand.u32 $0x4000, s31;
	s1 =	sadd.s32 s1, s30  }
0xbc: {  	s0 =	sor.u32 s3, s0;
	s1 =	sshll.u32 s1, $0x11  }
0xbd: {  	s0 =	sor.u32 s1, s0  }
0xbe: {  	s0 =	sadd.s32 $0x8F2B, s0  }
0xbf: {  	[sflag:s0] =	ssyncadd.remote.s32 $0x1  }
0xc0: {  	_ =	sfence.sel $0xFFFF  }
0xc1: {  	[dreg:$0x0] =	wrdreg $0xFFFFFFFF;
	(pc) =	sbr.abs _section_cstart, $3  }
0xc2: {  	[dreg:$0x1] =	wrdreg $0xFFFFFFFF  }
0xc3: {  	_ =	task.clear_ibuf [dreg:s8], $0x2FFFF;
	_ =	strace $0x9FFFFFFF  }
0xc4: {  	(tm) =	ssettm $0x7FFFFFFF  }
0xc5: {  	_ =	shalt  }
tec
execute0_lowered:
.L_overlay_start_1:
0x0: {  	(tag) =	ssettag $0x1  }
0x1: {  	s3 =	rddreg [dreg:$0x0]  }
0x2: {  	s4 =	rddreg [dreg:$0x1];
	s1 =	srdreg.scid  }
0x3: {  	s0 =	stileid.u32;
	s5 =	rddreg [dreg:$0x2];
	s10 =	simm.s32 $0x2000  }
0x4: {  	s11 =	simm.s32 $0x80;
	s12 =	simm.s32 $0x400;
	s13 =	simm.s32 $0x4000  }
0x5: {  	s14 =	simm.s32 $0x3;
	s15 =	simm.s32 $0x0;
	s6 =	sand.u32 $0x1, s1  }
0x6: {  	s2 =	sshll.u32 s0, $0x1;
	s1 =	rddreg [dreg:$0x3];
	s8 =	sshrl.u32 s0, $0x2  }
0x7: {  	s7 =	sor.u32 s6, s2;
	s2 =	simm.s32 $0x0;
	s8 =	smul.u32 $0x1400, s8  }
0x8: {  	s6 =	ssub.s32 $0x2, s6;
	s9 =	sshll.u32 s7, $0x7;
	[smem:$0x7FF] =	sst s2  }
0x9: {  	s31 =	sshrl.u32 s6, $0x1;
	s7 =	sshll.u32 s7, $0x9;
	s9 =	sand.u32 $0x380, s9  }
0xa: {  	_ =	strace $0x80000047;
	s6 =	ssub.s32 s6, s31;
	s8 =	sor.u32 s8, s9  }
0xb: {  	v0 =	vlaneseq.u32;
	s3 =	sadd.s32 s3, s7;
	s4 =	sadd.s32 s4, s7;
	s8 =	sshrl.u32 s8, $0x3  }
0xc: {  	v1 =	vimm.f32 $0.0e+00;
	v5 =	vmul.u32 $0x10, v0;
	s7 =	simm.s32 $0x1000;
	s6 =	smax.u32 s6, $0x1;
	s5 =	sadd.s32 s8, s5  }
0xd: {  	v2 =	vor.u32 $0x10, v0;
	v3 =	vor.u32 $0x1000, v0;
	v4 =	vor.u32 $0x1010, v0;
	s9 =	simm.s32 $0x2;
	s8 =	simm.s32 $0x1;
	s5 =	sadd.s32 $0x600, s5  }
.LBB2_1:
0xe: {  	[tilespmem:s2], [sflag:$0x1] =	stream.linear.gather [hbm4b:s3+s2], $0x1000, $0x38;
	[tilespmem:$0x4280] =	vst v63  }
0xf: {  	s16 =	simm.s32 $0x2020  }
0x10: {  	[tilespmem:s7], [sflag:$0x2] =	stream.linear.gather [hbm4b:s4+s2], $0x1000, $0x38;
	[tilespmem:$0x4280] =	vst v63  }
0x11: {  	[tilespmem:s16+$0xFFFFFFE0] =	vst v1  }
0x12: {  	[tilespmem:s16+$0x10] =	vst v1  }
0x13: {  	s17 =	simm.s32 $0x0;
	[tilespmem:s16+$0x0] =	vst v1  }
.LBB2_2:
0x14: {  	s17 =	sadd.s32 $0x4, s17  }
0x15: {  	[tilespmem:s16+$0xFFFFFFF0] =	vst v1;
	s16 =	sadd.s32 $0x40, s16;
	p0 =	slt.u32 s17, $0x1FC  }
.Ltmp0:
0x16: {  	[tilespmem:s16+$0xFFFFFFE0] =	vst v1;
	(pc) =	sbr.rel @p0 .LBB2_2-.Ltmp0, $3  }
0x17: {  	_ =	sdelay $0x1  }
0x18: {  	[tilespmem:s16+$0x10] =	vst v1  }
0x19: {  	[tilespmem:s16+$0x0] =	vst v1  }
0x1a: {  	[tilespmem:s16+$0xFFFFFFF0] =	vst v1  }
0x1b: {  	_ =	swait.ge [sflag:s8], $0x1000  }
0x1c: {  	[sflag:s8] =	ssyncset.done $0x0  }
0x1d: {  	[sflag:s8] =	ssyncadd.s32 $0xFFFFF000  }
0x1e: {  	_ =	swait.ge [sflag:s9], $0x1000  }
0x1f: {  	[sflag:s9] =	ssyncset.done $0x0  }
0x20: {  	s31 =	simm.s32 $0x10;
	[sflag:s9] =	ssyncadd.s32 $0xFFFFF000  }
0x21: {  	s17 =	simm.s32 $0x1010;
	v6 =	vld [tilespmem:s31+$0xFFFFFFF0]  }
0x22: {  	v7 =	vld [tilespmem:s17+$0xFFFFFFF0]  }
0x23: {  	v8 =	vld [tilespmem:s31+$0x0]  }
0x24: {  	s16 =	simm.s32 $0x30;
	v9 =	vld [tilespmem:s17+$0x0]  }
0x25: {  	v20 =	vld [tilespmem:s16+$0xFFFFFFF0];
	s17 =	simm.s32 $0x1030  }
0x26: {  	v28 =	vld [tilespmem:s17+$0xFFFFFFF0];
	v10 =	vmul.f32 $1.275000000e+02, v6;
	v6 =	vmul.f32 v6, v6  }
0x27: {  	v12 =	vmul.f32 $1.275000000e+02, v7;
	v7 =	vmul.f32 v7, v7  }
0x28: {  	v13 =	vmul.f32 v8, v8;
	v8 =	vmul.f32 $1.275000000e+02, v8  }
0x29: {  	v14 =	vmul.f32 $1.275000000e+02, v9;
	v9 =	vmul.f32 v9, v9  }
0x2a: {  	v11 =	vimm.f32 $0.0e+00;
	v29 =	vmul.f32 $1.275000000e+02, v20;
	v20 =	vmul.f32 v20, v20  }
0x2b: {  	v30 =	vmul.f32 v28, v28;
	v10 =	vadd.f32 $1.275000000e+02, v10;
	v12 =	vadd.f32 $1.275000000e+02, v12  }
0x2c: {  	v28 =	vmul.f32 $1.275000000e+02, v28;
	v6 =	vadd.f32 v6, v11;
	v8 =	vadd.f32 $1.275000000e+02, v8  }
0x2d: {  	v27 =	vld [tilespmem:s17+$0x0];
	v14 =	vadd.f32 $1.275000000e+02, v14;
	v7 =	vadd.f32 v7, v11;
	v15 =	vtrunc.f32 v10  }
0x2e: {  	v16 =	vtrunc.f32 v12;
	v18 =	vadd.f32 v13, v6;
	v6 =	vtrunc.f32 v8  }
0x2f: {  	v13 =	vtrunc.f32 v14;
	v19 =	vadd.f32 v9, v7;
	v11 =	vcvt.f32.s32 v15  }
0x30: {  	v15 =	vcvt.f32.s32 v16;
	v6 =	vcvt.f32.s32 v6  }
0x31: {  	v13 =	vcvt.f32.s32 v13;
	v18 =	vadd.f32 v20, v18;
	v19 =	vadd.f32 v30, v19  }
0x32: {  	v20 =	vmul.f32 v27, v27;
	vm0 =	vlt.s32 v11, $0xFE;
	vm14 =	vlt.s32 v15, $0xFE  }
0x33: {  	vm15 =	vlt.s32 v6, $0xFE;
	vm1 =	vlt.s32 v13, $0xFE;
	v7 =	vnsel vm0, $0xFE, v11  }
0x34: {  	v9 =	vnsel vm14, $0xFE, v15;
	v6 =	vnsel vm15, $0xFE, v6;
	v13 =	vnsel vm1, $0xFE, v13  }
0x35: {  	v11 =	vcvt.s32.f32 v7;
	v15 =	vshll.u32 v7, $0x4;
	v7 =	vcvt.s32.f32 v9  }
0x36: {  	v16 =	vcvt.s32.f32 v6;
	v17 =	vcvt.s32.f32 v13;
	v25 =	vor.u32 v0, v15  }
0x37: {  	v26 =	vld [tilespmem:s16+$0x0];
	v24 =	vadd.s32 v2, v15;
	v10 =	vsub.f32 v10, v11;
	v11 =	vshll.u32 v9, $0x4  }
0x38: {  	v9 =	vsub.f32 v12, v7;
	v7 =	vsub.f32 v8, v16;
	v12 =	vshll.u32 v6, $0x4  }
0x39: {  	v6 =	vsub.f32 v14, v17;
	v14 =	vshll.u32 v13, $0x4;
	v22 =	vadd.s32 v3, v11  }
0x3a: {  	v21 =	vadd.s32 v4, v11;
	v16 =	vor.u32 v0, v12;
	v11 =	vadd.f32 $1.275000000e+02, v29  }
0x3b: {  	v15 =	vadd.s32 v2, v12;
	v23 =	vsub.f32 $1.000000000e+00, v10;
	v17 =	vsub.f32 $1.000000000e+00, v9  }
0x3c: {  	s18 =	simm.s32 $0x2;
	v12 =	vmul.f32 v26, v26;
	v13 =	vsub.f32 $1.000000000e+00, v7;
	v8 =	vsub.f32 $1.000000000e+00, v6  }
.LBB2_4:
0x3d: {  	s18 =	sadd.s32 $0x2, s18;
	v28 =	vadd.f32 $1.275000000e+02, v28;
	v26 =	vmul.f32 $1.275000000e+02, v26;
	v27 =	vmul.f32 $1.275000000e+02, v27;
	[tilespmem:v25+s10+$0x0] =	vst.idx.add.f32.msk $0xffff, v23  }
0x3e: {  	v23 =	vtrunc.f32 v11;
	p0 =	slt.u32 s18, $0xFE;
	v18 =	vadd.f32 v12, v18;
	v19 =	vadd.f32 v20, v19;
	[tilespmem:v24+s10+$0x0] =	vst.idx.add.f32.msk $0xffff, v10  }
0x3f: {  	v10 =	vtrunc.f32 v28;
	v12 =	vadd.f32 $1.275000000e+02, v26;
	v20 =	vadd.f32 $1.275000000e+02, v27;
	[tilespmem:v22+s10+$0x0] =	vst.idx.add.f32.msk $0xffff, v17  }
0x40: {  	v17 =	vcvt.f32.s32 v23;
	v10 =	vcvt.f32.s32 v10;
	[tilespmem:v21+s10+$0x0] =	vst.idx.add.f32.msk $0xffff, v9;
	v9 =	vadd.s32 v3, v14  }
0x41: {  	v21 =	vtrunc.f32 v12;
	v22 =	vtrunc.f32 v20;
	[tilespmem:v16+s10+$0x0] =	vst.idx.add.f32.msk $0xffff, v13;
	v13 =	vadd.s32 v4, v14  }
0x42: {  	vm0 =	vlt.s32 v17, $0xFE;
	v14 =	vcvt.f32.s32 v21;
	v16 =	vcvt.f32.s32 v22;
	[tilespmem:v15+s10+$0x0] =	vst.idx.add.f32.msk $0xffff, v7  }
0x43: {  	v7 =	vnsel vm0, $0xFE, v17;
	vm0 =	vlt.s32 v10, $0xFE  }
0x44: {  	v15 =	vnsel vm0, $0xFE, v10;
	vm0 =	vlt.s32 v14, $0xFE;
	vm1 =	vlt.s32 v16, $0xFE  }
0x45: {  	v10 =	vcvt.s32.f32 v7;
	v14 =	vnsel vm0, $0xFE, v14;
	v16 =	vnsel vm1, $0xFE, v16;
	[tilespmem:v9+s10+$0x0] =	vst.idx.add.f32.msk $0xffff, v8  }
0x46: {  	s16 =	sadd.s32 $0x20, s16;
	v8 =	vshll.u32 v7, $0x4;
	v7 =	vcvt.s32.f32 v15;
	v17 =	vcvt.s32.f32 v14;
	[tilespmem:v13+s10+$0x0] =	vst.idx.add.f32.msk $0xffff, v6  }
0x47: {  	s17 =	sadd.s32 $0x20, s17;
	v10 =	vsub.f32 v11, v10;
	v11 =	vshll.u32 v15, $0x4;
	v6 =	vcvt.s32.f32 v16;
	v29 =	vld [tilespmem:s16+$0xFFFFFFF0]  }
0x48: {  	v9 =	vsub.f32 v28, v7;
	v30 =	vld [tilespmem:s17+$0xFFFFFFF0];
	v7 =	vsub.f32 v12, v17;
	v12 =	vshll.u32 v14, $0x4  }
0x49: {  	v23 =	vsub.f32 $1.000000000e+00, v10;
	v6 =	vsub.f32 v20, v6;
	v14 =	vshll.u32 v16, $0x4;
	v26 =	vld [tilespmem:s16+$0x0]  }
0x4a: {  	v25 =	vor.u32 v0, v8;
	v17 =	vsub.f32 $1.000000000e+00, v9;
	v27 =	vld [tilespmem:s17+$0x0];
	v13 =	vsub.f32 $1.000000000e+00, v7  }
.Ltmp1:
0x4b: {  	v24 =	vadd.s32 v2, v8;
	v22 =	vadd.s32 v3, v11;
	v8 =	vsub.f32 $1.000000000e+00, v6;
	(pc) =	sbr.rel @p0 .LBB2_4-.Ltmp1, $4  }
0x4c: {  	v21 =	vadd.s32 v4, v11;
	v16 =	vor.u32 v0, v12;
	v20 =	vmul.f32 $1.275000000e+02, v29  }
0x4d: {  	v15 =	vadd.s32 v2, v12;
	v29 =	vmul.f32 v29, v29;
	v31 =	vmul.f32 v30, v30  }
0x4e: {  	v28 =	vmul.f32 $1.275000000e+02, v30;
	v11 =	vadd.f32 $1.275000000e+02, v20;
	v12 =	vmul.f32 v26, v26  }
0x4f: {  	v18 =	vadd.f32 v29, v18;
	v19 =	vadd.f32 v31, v19;
	v20 =	vmul.f32 v27, v27  }
0x50: {  	v26 =	vmul.f32 $1.275000000e+02, v26  }
0x51: {  	v28 =	vadd.f32 $1.275000000e+02, v28;
	v27 =	vmul.f32 $1.275000000e+02, v27;
	v29 =	vtrunc.f32 v11  }
0x52: {  	v31 =	vadd.s32 v3, v14;
	v29 =	vcvt.f32.s32 v29  }
0x53: {  	v30 =	vtrunc.f32 v28;
	v26 =	vadd.f32 $1.275000000e+02, v26;
	v27 =	vadd.f32 $1.275000000e+02, v27  }
0x54: {  	v14 =	vadd.s32 v4, v14;
	v30 =	vcvt.f32.s32 v30;
	vm0 =	vlt.s32 v29, $0xFE  }
0x55: {  	[tilespmem:v25+s10+$0x0] =	vst.idx.add.f32.msk $0xffff, v23;
	v32 =	vtrunc.f32 v26;
	v33 =	vtrunc.f32 v27;
	v23 =	vnsel vm0, $0xFE, v29  }
0x56: {  	[tilespmem:v24+s10+$0x0] =	vst.idx.add.f32.msk $0xffff, v10;
	v32 =	vcvt.f32.s32 v32;
	v33 =	vcvt.f32.s32 v33;
	vm14 =	vlt.s32 v30, $0xFE  }
0x57: {  	[tilespmem:v22+s10+$0x0] =	vst.idx.add.f32.msk $0xffff, v17;
	v22 =	vcvt.s32.f32 v23;
	v23 =	vshll.u32 v23, $0x4;
	v10 =	vnsel vm14, $0xFE, v30  }
0x58: {  	[tilespmem:v16+s10+$0x0] =	vst.idx.add.f32.msk $0xffff, v13;
	v63 =	vor.u32 v0, v23;
	v13 =	vadd.s32 v2, v23;
	vm15 =	vlt.s32 v32, $0xFE  }
0x59: {  	[tilespmem:v21+s10+$0x0] =	vst.idx.add.f32.msk $0xffff, v9;
	vm1 =	vlt.s32 v33, $0xFE;
	v21 =	vcvt.s32.f32 v10;
	v11 =	vsub.f32 v11, v22  }
0x5a: {  	v10 =	vshll.u32 v10, $0x4;
	v17 =	vnsel vm15, $0xFE, v32;
	v9 =	vnsel vm1, $0xFE, v33  }
0x5b: {  	[tilespmem:v15+s10+$0x0] =	vst.idx.add.f32.msk $0xffff, v7;
	v16 =	vadd.s32 v3, v10;
	v10 =	vadd.s32 v4, v10;
	v7 =	vcvt.s32.f32 v17  }
0x5c: {  	[tilespmem:v31+s10+$0x0] =	vst.idx.add.f32.msk $0xffff, v8;
	v15 =	vsub.f32 v28, v21;
	v8 =	vshll.u32 v17, $0x4;
	v17 =	vsub.f32 $1.000000000e+00, v11  }
0x5d: {  	[tilespmem:v14+s10+$0x0] =	vst.idx.add.f32.msk $0xffff, v6;
	v6 =	vcvt.s32.f32 v9;
	v9 =	vshll.u32 v9, $0x4;
	v14 =	vor.u32 v0, v8  }
0x5e: {  	v8 =	vadd.s32 v2, v8;
	v7 =	vsub.f32 v26, v7;
	v21 =	vsub.f32 $1.000000000e+00, v15;
	[tilespmem:v63+s10+$0x0] =	vst.idx.add.f32.msk $0xffff, v17  }
0x5f: {  	[tilespmem:v13+s10+$0x0] =	vst.idx.add.f32.msk $0xffff, v11;
	v11 =	vadd.s32 v3, v9  }
0x60: {  	s17 =	simm.s32 $0xF;
	v6 =	vsub.f32 v27, v6;
	v9 =	vadd.s32 v4, v9;
	v13 =	vsub.f32 $1.000000000e+00, v7;
	[tilespmem:v16+s10+$0x0] =	vst.idx.add.f32.msk $0xffff, v21  }
0x61: {  	s16 =	simm.s32 $0xC;
	[tilespmem:v10+s10+$0x0] =	vst.idx.add.f32.msk $0xffff, v15;
	v10 =	vor.u32 s17, v5  }
0x62: {  	s18 =	simm.s32 $0x8;
	v15 =	vsub.f32 $1.000000000e+00, v6;
	[tilespmem:v14+s10+$0x0] =	vst.idx.add.f32.msk $0xffff, v13;
	v13 =	vor.u32 s16, v5  }
0x63: {  	s25 =	simm.s32 $0x9;
	[tilespmem:v8+s10+$0x0] =	vst.idx.add.f32.msk $0xffff, v7;
	v7 =	vor.u32 s18, v5  }
0x64: {  	s26 =	simm.s32 $0x0;
	v8 =	vor.u32 s25, v5;
	[tilespmem:v11+s10+$0x0] =	vst.idx.add.f32.msk $0xffff, v15  }
0x65: {  	s28 =	simm.s32 $0x1;
	[tilespmem:v9+s10+$0x0] =	vst.idx.add.f32.msk $0xffff, v6;
	v6 =	vor.u32 s26, v5  }
0x66: {  	p2 =	por $0x1, $0x1;
	v21 =	vor.u32 s28, v5;
	v11 =	vld.idx.msk [tilespmem:v10+s10+$0x0], $0xffff  }
.Ltmp2:
0x67: {  	v13 =	vld.idx.msk [tilespmem:v13+s10+$0x0], $0xffff;
	(pc) =	sbr.rel @!p2 .LBB2_6-.Ltmp2, $4  }
0x68: {  	s20 =	simm.s32 $0x5;
	v9 =	vld.idx.msk [tilespmem:v7+s10+$0x0], $0xffff  }
0x69: {  	s29 =	simm.s32 $0x2;
	s30 =	simm.s32 $0x3;
	s19 =	simm.s32 $0x4;
	v17 =	vor.u32 s20, v5;
	v8 =	vld.idx.msk [tilespmem:v8+s10+$0x0], $0xffff  }
0x6a: {  	s31 =	simm.s32 $0x6;
	p0 =	por $0x0, $0x0;
	p1 =	por $0x0, $0x0;
	v16 =	vor.u32 s19, v5;
	v14 =	vor.u32 s29, v5;
	v15 =	vor.u32 s30, v5;
	v10 =	vld.idx.msk [tilespmem:v6+s10+$0x0], $0xffff  }
0x6b: {  	s20 =	simm.s32 $0x7;
	s16 =	simm.s32 $0x4000;
	s18 =	simm.s32 $0x10F;
	v7 =	vadd.f32 v20, v19;
	v20 =	vor.u32 s31, v5;
	v6 =	vadd.f32 v12, v18;
	v12 =	vld.idx.msk [tilespmem:v21+s10+$0x0], $0xffff  }
0x6c: {  	_ =	sdelay $0x3  }
0x6d: {  	v18 =	vld.idx.msk [tilespmem:v14+s10+$0x0], $0xffff;
	v14 =	vor.u32 s20, v5;
	s17 =	simm.s32 $0xA  }
0x6e: {  	v15 =	vld.idx.msk [tilespmem:v15+s10+$0x0], $0xffff;
	s31 =	simm.s32 $0xB;
	v19 =	vor.u32 s17, v5  }
0x6f: {  	v16 =	vld.idx.msk [tilespmem:v16+s10+$0x0], $0xffff;
	s19 =	simm.s32 $0xD;
	v21 =	vor.u32 s31, v5  }
0x70: {  	v17 =	vld.idx.msk [tilespmem:v17+s10+$0x0], $0xffff;
	s20 =	simm.s32 $0xE;
	v22 =	vor.u32 s19, v5  }
0x71: {  	v20 =	vld.idx.msk [tilespmem:v20+s10+$0x0], $0xffff;
	v23 =	vor.u32 s20, v5  }
0x72: {  	s21 =	simm.s32 $0x10C;
	v24 =	vor.u32 s18, v5;
	v25 =	vld.idx.msk [tilespmem:v14+s10+$0x0], $0xffff  }
0x73: {  	s23 =	simm.s32 $0x109;
	v26 =	vor.u32 s21, v5;
	v19 =	vld.idx.msk [tilespmem:v19+s10+$0x0], $0xffff  }
0x74: {  	s22 =	simm.s32 $0x108;
	v29 =	vor.u32 s23, v5;
	v28 =	vld.idx.msk [tilespmem:v21+s10+$0x0], $0xffff  }
0x75: {  	s24 =	simm.s32 $0x100;
	v27 =	vor.u32 s22, v5;
	v22 =	vld.idx.msk [tilespmem:v22+s10+$0x0], $0xffff  }
0x76: {  	s25 =	simm.s32 $0x101;
	v30 =	vor.u32 s24, v5;
	v23 =	vld.idx.msk [tilespmem:v23+s10+$0x0], $0xffff  }
0x77: {  	s26 =	simm.s32 $0x102;
	p2 =	por $0x1, $0x1;
	v31 =	vor.u32 s25, v5;
	v10 =	vadd.f32 v16, v10;
	v12 =	vadd.f32 v17, v12;
	v21 =	vld.idx.msk [tilespmem:v24+s10+$0x0], $0xffff  }
.Ltmp3:
0x78: {  	s29 =	simm.s32 $0x104;
	v14 =	vor.u32 s26, v5;
	v17 =	vadd.f32 v20, v18;
	v24 =	vld.idx.msk [tilespmem:v26+s10+$0x0], $0xffff;
	v18 =	vadd.f32 v25, v15;
	(pc) =	sbr.rel @!p2 .LBB2_8-.Ltmp3, $4  }
0x79: {  	s31 =	simm.s32 $0x106;
	v16 =	vor.u32 s29, v5;
	v9 =	vadd.f32 v9, v10;
	v12 =	vadd.f32 v8, v12;
	v8 =	vld.idx.msk [tilespmem:v29+s10+$0x0], $0xffff  }
0x7a: {  	s28 =	simm.s32 $0x103;
	v20 =	vor.u32 s31, v5;
	v25 =	vld.idx.msk [tilespmem:v27+s10+$0x0], $0xffff;
	v26 =	vadd.f32 v19, v17;
	v27 =	vadd.f32 v28, v18  }
0x7b: {  	s30 =	simm.s32 $0x105;
	v10 =	vld.idx.msk [tilespmem:v30+s10+$0x0], $0xffff;
	v15 =	vor.u32 s28, v5;
	v19 =	vadd.f32 v22, v12;
	v18 =	vadd.f32 v13, v9  }
0x7c: {  	p0 =	por $0x1, $0x1;
	s20 =	simm.s32 $0x107;
	s17 =	simm.s32 $0x20F;
	v17 =	vor.u32 s30, v5;
	v12 =	vld.idx.msk [tilespmem:v31+s10+$0x0], $0xffff;
	v22 =	vadd.f32 v23, v26;
	v23 =	vadd.f32 v11, v27  }
0x7d: {  	_ =	sdelay $0x3  }
0x7e: {  	v9 =	vld.idx.msk [tilespmem:v14+s10+$0x0], $0xffff;
	v11 =	vor.u32 s20, v5;
	s18 =	simm.s32 $0x10A  }
0x7f: {  	v15 =	vld.idx.msk [tilespmem:v15+s10+$0x0], $0xffff;
	s19 =	simm.s32 $0x10B;
	v13 =	vor.u32 s18, v5  }
0x80: {  	v14 =	vld.idx.msk [tilespmem:v16+s10+$0x0], $0xffff;
	s20 =	simm.s32 $0x10D;
	v16 =	vor.u32 s19, v5  }
0x81: {  	v17 =	vld.idx.msk [tilespmem:v17+s10+$0x0], $0xffff;
	s21 =	simm.s32 $0x10E;
	v26 =	vor.u32 s20, v5  }
0x82: {  	v20 =	vld.idx.msk [tilespmem:v20+s10+$0x0], $0xffff;
	v27 =	vor.u32 s21, v5  }
0x83: {  	s22 =	simm.s32 $0x20C;
	v28 =	vor.u32 s17, v5;
	v29 =	vld.idx.msk [tilespmem:v11+s10+$0x0], $0xffff  }
0x84: {  	s19 =	simm.s32 $0x208;
	v30 =	vor.u32 s22, v5;
	v31 =	vld.idx.msk [tilespmem:v13+s10+$0x0], $0xffff  }
0x85: {  	s23 =	simm.s32 $0x209;
	v11 =	vadd.f32 v19, v18;
	v18 =	vor.u32 s19, v5;
	v19 =	vld.idx.msk [tilespmem:v16+s10+$0x0], $0xffff  }
0x86: {  	s24 =	simm.s32 $0x200;
	v13 =	vadd.f32 v23, v22;
	v22 =	vor.u32 s23, v5;
	v23 =	vld.idx.msk [tilespmem:v26+s10+$0x0], $0xffff  }
0x87: {  	s25 =	simm.s32 $0x201;
	v32 =	vor.u32 s24, v5;
	v10 =	vadd.f32 v14, v10;
	v27 =	vld.idx.msk [tilespmem:v27+s10+$0x0], $0xffff  }
0x88: {  	s26 =	simm.s32 $0x202;
	p2 =	por $0x1, $0x1;
	v33 =	vor.u32 s25, v5;
	v12 =	vadd.f32 v17, v12;
	v62 =	vadd.f32 v13, v11;
	v11 =	vld.idx.msk [tilespmem:v28+s10+$0x0], $0xffff  }
.Ltmp4:
0x89: {  	s28 =	simm.s32 $0x203;
	v14 =	vor.u32 s26, v5;
	v17 =	vadd.f32 v20, v9;
	v13 =	vld.idx.msk [tilespmem:v30+s10+$0x0], $0xffff;
	v20 =	vadd.f32 v29, v15;
	(pc) =	sbr.rel @!p2 .LBB2_10-.Ltmp4, $4  }
0x8a: {  	s29 =	simm.s32 $0x204;
	v12 =	vadd.f32 v8, v12;
	v15 =	vor.u32 s28, v5;
	v9 =	vld.idx.msk [tilespmem:v18+s10+$0x0], $0xffff;
	v18 =	vadd.f32 v25, v10  }
0x8b: {  	s30 =	simm.s32 $0x205;
	v16 =	vor.u32 s29, v5;
	v8 =	vld.idx.msk [tilespmem:v22+s10+$0x0], $0xffff;
	v22 =	vadd.f32 v31, v17;
	v63 =	vadd.f32 v19, v20  }
0x8c: {  	s31 =	simm.s32 $0x206;
	p1 =	por $0x1, $0x1;
	v10 =	vld.idx.msk [tilespmem:v32+s10+$0x0], $0xffff;
	v17 =	vor.u32 s30, v5;
	v18 =	vadd.f32 v24, v18;
	v19 =	vadd.f32 v23, v12  }
0x8d: {  	s20 =	simm.s32 $0x207;
	s18 =	simm.s32 $0x4000;
	s19 =	simm.s32 $0x30F;
	[tilespmem:s16+$0x0] =	vst v62;
	v12 =	vld.idx.msk [tilespmem:v33+s10+$0x0], $0xffff;
	v20 =	vor.u32 s31, v5;
	v22 =	vadd.f32 v27, v22;
	v23 =	vadd.f32 v21, v63  }
.LBB2_11:
0x8e: {  	p2 =	sne.s32 s19, $0x1F0F;
	v21 =	vld.idx.msk [tilespmem:v14+s10+$0x0], $0xffff;
	v14 =	vor.u32 s20, v5;
	s20 =	sadd.s32 $0xFFFFFFFB, s17;
	v24 =	vmov v11  }
0x8f: {  	v18 =	vadd.f32 v19, v18;
	v15 =	vld.idx.msk [tilespmem:v15+s10+$0x0], $0xffff;
	v11 =	vor.u32 s20, v5;
	s20 =	sadd.s32 $0xFFFFFFFC, s17;
	v19 =	vadd.f32 v23, v22;
	v22 =	vmovc v13  }
0x90: {  	v13 =	vld.idx.msk [tilespmem:v16+s10+$0x0], $0xffff;
	v16 =	vor.u32 s20, v5;
	s20 =	sadd.s32 $0xFFFFFFFE, s17  }
0x91: {  	v17 =	vld.idx.msk [tilespmem:v17+s10+$0x0], $0xffff;
	v23 =	vor.u32 s20, v5;
	s20 =	sadd.s32 $0xFFFFFFFF, s17;
	v18 =	vadd.f32 v19, v18;
	s17 =	smov.u32 s19  }
0x92: {  	s18 =	sadd.s32 $0x10, s18;
	v19 =	vld.idx.msk [tilespmem:v20+s10+$0x0], $0xffff;
	v20 =	vor.u32 s20, v5  }
0x93: {  	v25 =	vor.u32 s19, v5;
	s20 =	sadd.s32 $0xFFFFFFFD, s19;
	v26 =	vld.idx.msk [tilespmem:v14+s10+$0x0], $0xffff;
	[tilespmem:s18+$0x0] =	vst v18  }
0x94: {  	s21 =	sadd.s32 $0xFFFFFFF9, s19;
	v18 =	vor.u32 s20, v5;
	v27 =	vld.idx.msk [tilespmem:v11+s10+$0x0], $0xffff  }
0x95: {  	v28 =	vor.u32 s21, v5;
	s20 =	sadd.s32 $0xFFFFFFFA, s19;
	v29 =	vld.idx.msk [tilespmem:v16+s10+$0x0], $0xffff  }
0x96: {  	s21 =	sadd.s32 $0xFFFFFFF1, s19;
	v30 =	vor.u32 s20, v5;
	v23 =	vld.idx.msk [tilespmem:v23+s10+$0x0], $0xffff  }
0x97: {  	v31 =	vor.u32 s21, v5;
	s20 =	sadd.s32 $0xFFFFFFF2, s19;
	v32 =	vld.idx.msk [tilespmem:v20+s10+$0x0], $0xffff  }
0x98: {  	v10 =	vadd.f32 v13, v10;
	v12 =	vadd.f32 v17, v12;
	v20 =	vor.u32 s20, v5;
	s20 =	sadd.s32 $0xFFFFFFF3, s19;
	v11 =	vld.idx.msk [tilespmem:v25+s10+$0x0], $0xffff  }
.Ltmp5:
0x99: {  	v17 =	vadd.f32 v19, v21;
	v14 =	vor.u32 s20, v5;
	s20 =	sadd.s32 $0xFFFFFFF4, s19;
	v13 =	vld.idx.msk [tilespmem:v18+s10+$0x0], $0xffff;
	v18 =	vadd.f32 v26, v15;
	(pc) =	sbr.rel @p2 .LBB2_11-.Ltmp5, $4  }
0x9a: {  	v19 =	vadd.f32 v9, v10;
	v12 =	vadd.f32 v8, v12;
	v15 =	vor.u32 s20, v5;
	s20 =	sadd.s32 $0xFFFFFFF5, s19;
	v9 =	vld.idx.msk [tilespmem:v28+s10+$0x0], $0xffff  }
0x9b: {  	v21 =	vadd.f32 v27, v17;
	v16 =	vor.u32 s20, v5;
	s20 =	sadd.s32 $0xFFFFFFF6, s19;
	v8 =	vld.idx.msk [tilespmem:v30+s10+$0x0], $0xffff;
	v25 =	vadd.f32 v29, v18  }
0x9c: {  	v17 =	vor.u32 s20, v5;
	s20 =	sadd.s32 $0xFFFFFFF7, s19;
	v18 =	vadd.f32 v22, v19;
	v19 =	vadd.f32 v23, v12;
	v10 =	vld.idx.msk [tilespmem:v31+s10+$0x0], $0xffff  }
0x9d: {  	s19 =	sadd.s32 $0x100, s19;
	v22 =	vadd.f32 v32, v21;
	v12 =	vld.idx.msk [tilespmem:v20+s10+$0x0], $0xffff;
	v20 =	vor.u32 s20, v5;
	s20 =	sadd.s32 $0xFFFFFFF8, s17;
	v23 =	vadd.f32 v24, v25  }
.LBB2_12:
0x9e: {  	_ =	sdelay $0x3  }
0x9f: {  	v14 =	vld.idx.msk [tilespmem:v14+s10+$0x0], $0xffff;
	v21 =	vor.u32 s20, v5;
	s19 =	sadd.s32 $0xFFFFFFFB, s17  }
0xa0: {  	v15 =	vld.idx.msk [tilespmem:v15+s10+$0x0], $0xffff;
	s29 =	sadd.s32 $0xFFFFFFFC, s17;
	v24 =	vor.u32 s19, v5  }
0xa1: {  	v16 =	vld.idx.msk [tilespmem:v16+s10+$0x0], $0xffff;
	s30 =	sadd.s32 $0xFFFFFFFE, s17;
	v25 =	vor.u32 s29, v5  }
0xa2: {  	v17 =	vld.idx.msk [tilespmem:v17+s10+$0x0], $0xffff;
	s31 =	sadd.s32 $0xFFFFFFFF, s17;
	v26 =	vor.u32 s30, v5  }
0xa3: {  	v20 =	vld.idx.msk [tilespmem:v20+s10+$0x0], $0xffff;
	v27 =	vor.u32 s31, v5  }
0xa4: {  	v21 =	vld.idx.msk [tilespmem:v21+s10+$0x0], $0xffff  }
0xa5: {  	v24 =	vld.idx.msk [tilespmem:v24+s10+$0x0], $0xffff  }
0xa6: {  	v25 =	vld.idx.msk [tilespmem:v25+s10+$0x0], $0xffff  }
0xa7: {  	v26 =	vld.idx.msk [tilespmem:v26+s10+$0x0], $0xffff  }
0xa8: {  	v10 =	vadd.f32 v16, v10;
	v12 =	vadd.f32 v17, v12;
	v60 =	vld.idx.msk [tilespmem:v27+s10+$0x0], $0xffff  }
0xa9: {  	v14 =	vadd.f32 v20, v14;
	v15 =	vadd.f32 v21, v15  }
0xaa: {  	v9 =	vadd.f32 v9, v10;
	v8 =	vadd.f32 v8, v12  }
0xab: {  	v61 =	vadd.f32 v24, v14;
	v62 =	vadd.f32 v25, v15  }
0xac: {  	v9 =	vadd.f32 v13, v9;
	v8 =	vadd.f32 v26, v8  }
0xad: {  	v10 =	vadd.f32 v60, v61;
	v11 =	vadd.f32 v11, v62  }
0xae: {  	v12 =	vadd.f32 @p0 v19, v18;
	v13 =	vadd.f32 @p0 v23, v22  }
0xaf: {  	s17 =	sadd.s32 @p1 $0x10, s18;
	s18 =	simm.s32 $0x4000;
	v8 =	vadd.f32 v8, v9;
	v63 =	vadd.f32 v11, v10  }
0xb0: {  	s18 =	smov.u32 @p1 s17;
	v10 =	vadd.f32 @p0 v13, v12  }
0xb1: {  	s17 =	sadd.s32 @p0 $0x10, s18;
	v8 =	vadd.f32 v63, v8  }
0xb2: {  	s16 =	smov.u32 @p0 s17;
	[tilespmem:s18+$0x0] =	vst @p0 v10  }
0xb3: {  	[tilespmem:s16+$0x0] =	vst v8  }
0xb4: {  	s15 =	sadd.s32 $0x1, s15;
	[tilespmem:$0x4200] =	vst v6  }
0xb5: {  	p0 =	sne.s32 s15, s6;
	[tilespmem:$0x4210] =	vst v7  }
0xb6: {  	[hbm4b:s5+s11] =	stream.strided.scatter [tilespmem:s13], [sflag:$0x3], $0x280, s12, s11, $0x38;
	[tilespmem:$0x4280] =	vst v63  }
.Ltmp6:
0xb7: {  	_ = 	snop;
	(pc) =	sbr.rel @p0 .LBB2_1-.Ltmp6, $4  }
.Ltmp7:
0xb8: {  	_ = 	snop;
	(pc) =	sbr.rel @!p0 .LBB2_13-.Ltmp7, $4  }
0xb9: {  	_ =	swait.ge [sflag:s14], $0x280  }
0xba: {  	[sflag:s14] =	ssyncset.done $0x0  }
0xbb: {  	[sflag:s14] =	ssyncadd.s32 $0xFFFFFD80  }
0xbc: {  	_ = 	snop  }
.LBB2_6:
.Ltmp8:
0xbd: {  	(pc) =	sbr.rel .LBB2_12-.Ltmp8, $2  }
0xbe: {  	_ =	sdelay $0x2  }
0xbf: {  	s18 =	simm.s32 $0x4000  }
.LBB2_8:
.Ltmp9:
0xc0: {  	(pc) =	sbr.rel .LBB2_12-.Ltmp9, $2  }
0xc1: {  	_ =	sdelay $0x2  }
0xc2: {  	s17 =	simm.s32 $0x10F;
	v11 =	vmov v21;
	v13 =	vmov v24;
	s18 =	simm.s32 $0x4000;
	v9 =	vmov v25  }
.LBB2_10:
.Ltmp10:
0xc3: {  	(pc) =	sbr.rel .LBB2_12-.Ltmp10, $2  }
0xc4: {  	_ =	sdelay $0x2  }
0xc5: {  	s18 =	simm.s32 $0x4000  }
.LBB2_13:
0xc6: {  	_ =	sfence.sel $0x180000  }
0xc7: {  	[bflag:$0x0] =	sbarrier.arrive $0xFFFF  }
0xc8: {  	p0 =	sne.s32 s0, $0x0;
	_ =	strace $0x90000047  }
0xc9: {  	s0 =	sadd.s32 @!p0 $0x100000, s1;
	[bflag:$0x2] =	sbarrier.arrive $0xFFFF  }
0xca: {  	[sflag:s0] =	ssyncadd.tile.s32 @!p0 $0x1;
	_ =	shalt  }
.Lfunc_end2:
_tile_overlayer_lowered:
.L_overlay_start_2:
0xcb: {  	(tag) =	ssettag $0x2  }
0xcc: {  	s0 =	rddreg [dreg:$0x0];
	s2 =	stileid.u32  }
0xcd: {  	s1 =	rddreg [dreg:$0x1];
	p0 =	sne.s32 s2, $0x0  }
0xce: {  	s3 =	rddreg [dreg:$0x2];
	[bflag:$0x3] =	sbarrier.arrive $0xFFFF;
	s2 =	simm.s32 @!p0 $0x1C03  }
0xcf: {  	[timem:s3], [sflag:s2] =	dma.local @!p0 [hbm:s0], s1  }
0xd0: {  	s0 =	simm.s32 @!p0 $0x3  }
0xd1: {  	_ =	swait.ge @!p0 [sflag:s0], s1  }
0xd2: {  	s1 =	ssub.s32 @!p0 $0x0, s1;
	[sflag:s0] =	ssyncset.done @!p0 $0x0  }
0xd3: {  	[sflag:s0] =	ssyncadd.s32 @!p0 s1  }
0xd4: {  	[bflag:$0x3] =	sbarrier.arrive $0xFFFF  }
0xd5: {  	_ =	shalt  }

</sc_bundles>
